<compile_context>
chip_gen: v7x
topology: tpu7x:2x2x1
jax: 0.10.2.dev20260603
libtpu: 0.0.44.dev20260713+nightly
codegen_flags: <defaults>
</compile_context>

<pallas_src>
import functools

import jax
import jax.numpy as jnp
from jax import lax
from jax.experimental import pallas as pl
from jax.experimental.pallas import tpu as pltpu
from jax.experimental.pallas import tpu_sc as plsc

_VOCAB = 100000
_EMBED = 128
_BATCH = 1024
_SEQ = 200
_B = _BATCH * _SEQ
_NC = 2
_NS = 16
_NW = _NC * _NS
_BPW = _B // _NW
_CH = 80
_NCHUNK = _BPW // _CH
_NBUF = 8
_NITER = _NCHUNK // _NBUF

_mesh = plsc.VectorSubcoreMesh(
    core_axis_name="c", subcore_axis_name="s", num_cores=_NC, num_subcores=_NS
)


@functools.partial(
    pl.kernel,
    out_type=jax.ShapeDtypeStruct((_B, _EMBED), jnp.float32),
    mesh=_mesh,
    scratch_types=[
        pltpu.VMEM((_BPW,), jnp.int32),
        pltpu.VMEM((_NBUF, _CH, _EMBED), jnp.float32),
        [pltpu.SemaphoreType.DMA] * _NBUF,
        [pltpu.SemaphoreType.DMA] * _NBUF,
    ],
)
def _gather_rows(idx_hbm, table_hbm, out_hbm, idx_v, rows_v, gsems, osems):
    wid = lax.axis_index("s") * _NC + lax.axis_index("c")
    base = wid * _BPW
    pltpu.sync_copy(idx_hbm.at[pl.ds(base, _BPW)], idx_v)

    def gather_start(g, b):
        return pltpu.async_copy(
            table_hbm.at[idx_v.at[pl.ds(g * _CH, _CH)]], rows_v.at[b], gsems[b]
        )

    def out_start(g, b):
        return pltpu.async_copy(
            rows_v.at[b], out_hbm.at[pl.ds(base + g * _CH, _CH)], osems[b]
        )

    def out_drain(b):
        pltpu.make_async_copy(
            rows_v.at[b], out_hbm.at[pl.ds(base, _CH)], osems[b]
        ).wait()

    def ring(j, first):
        gbase = j * _NBUF
        descs = []
        for b in range(_NBUF):
            if not first:
                out_drain(b)
            descs.append(gather_start(gbase + b, b))
        for b in range(_NBUF):
            descs[b].wait()
            out_start(gbase + b, b)

    ring(0, True)
    lax.fori_loop(1, _NITER, lambda j, c: (ring(j, False), c)[1], 0)
    for b in range(_NBUF):
        out_drain(b)


def kernel(prompt_ids, embedding_table):
    if prompt_ids.dtype != jnp.int32:
        prompt_ids = prompt_ids.astype(jnp.int32)
    idx = prompt_ids.reshape(-1)
    out = _gather_rows(idx, embedding_table)
    return out.reshape(_BATCH, _SEQ, _EMBED)

# --- scband reference (transcript-rebuilt; emitter-appended) ---
"""Pipeline reference for scband-prompt-gen-55327768707075 (READ-ONLY COPY).

The authoritative reference and input builder live on the scoring server;
editing this copy changes nothing except your own understanding.
"""

import jax, jax.numpy as jnp
import numpy as np

VOCAB = 100000
EMBED_DIM = 128
BATCH = 1024
SEQ = 200

def setup_inputs(seed: int = 0) -> dict:
    key = jax.random.key(seed)
    k1, k2 = jax.random.split(key)
    # tokenized prompt ids: tokenizer(prompt, ..., max_length=2048).input_ids
    prompt_ids = jax.random.randint(k1, (BATCH, SEQ), 0, VOCAB, dtype=jnp.int64)
    # llm_model.get_input_embeddings() weight matrix
    embedding_table = (jax.random.normal(k2, (VOCAB, EMBED_DIM), dtype=jnp.float32) * 0.02)
    return {"prompt_ids": prompt_ids, "embedding_table": embedding_table}

def reference(prompt_ids, embedding_table):
    # prompt_embeddings = llm_model.get_input_embeddings()(prompt.to(device))
    # i.e. a row-gather from the LLM input embedding table
    prompt_embeddings = jnp.take(embedding_table, prompt_ids, axis=0)
    return prompt_embeddings

if __name__ == "__main__":
    import jax
    _d = setup_inputs()
    print(jax.jit(kernel)(*tuple(_d.values())))

</pallas_src>

<mosaic_0001>
#map = affine_map<(d0, d1) -> (0)>
#map1 = affine_map<(d0, d1) -> (0, 0)>
module attributes {stable_mosaic.version = 14 : i64} {
  func.func @_gather_rows(%arg0: i32, %arg1: i32, %arg2: memref<204800xi32, #tpu.memory_space<hbm>>, %arg3: memref<100000x128xf32, #tpu.memory_space<hbm>>, %arg4: memref<204800x128xf32, #tpu.memory_space<hbm>>, %arg5: memref<6400xi32, #tpu.memory_space<vmem>>, %arg6: memref<8x80x128xf32, #tpu.memory_space<vmem>>, %arg7: memref<!tpu.dma_semaphore, #tpu.memory_space<semaphore_mem>>, %arg8: memref<!tpu.dma_semaphore, #tpu.memory_space<semaphore_mem>>, %arg9: memref<!tpu.dma_semaphore, #tpu.memory_space<semaphore_mem>>, %arg10: memref<!tpu.dma_semaphore, #tpu.memory_space<semaphore_mem>>, %arg11: memref<!tpu.dma_semaphore, #tpu.memory_space<semaphore_mem>>, %arg12: memref<!tpu.dma_semaphore, #tpu.memory_space<semaphore_mem>>, %arg13: memref<!tpu.dma_semaphore, #tpu.memory_space<semaphore_mem>>, %arg14: memref<!tpu.dma_semaphore, #tpu.memory_space<semaphore_mem>>, %arg15: memref<!tpu.dma_semaphore, #tpu.memory_space<semaphore_mem>>, %arg16: memref<!tpu.dma_semaphore, #tpu.memory_space<semaphore_mem>>, %arg17: memref<!tpu.dma_semaphore, #tpu.memory_space<semaphore_mem>>, %arg18: memref<!tpu.dma_semaphore, #tpu.memory_space<semaphore_mem>>, %arg19: memref<!tpu.dma_semaphore, #tpu.memory_space<semaphore_mem>>, %arg20: memref<!tpu.dma_semaphore, #tpu.memory_space<semaphore_mem>>, %arg21: memref<!tpu.dma_semaphore, #tpu.memory_space<semaphore_mem>>, %arg22: memref<!tpu.dma_semaphore, #tpu.memory_space<semaphore_mem>>) attributes {dimension_semantics = [#tpu.dimension_semantics<core_parallel>, #tpu.dimension_semantics<subcore_parallel>], iteration_bounds = array<i64: 2, 16>, scalar_prefetch = 0 : i64, scratch_operands = 18 : i64, tpu.core_type = #tpu.core_type<sc_vector_subcore>, window_params = [{transform_indices = #map}, {transform_indices = #map1}, {transform_indices = #map1}]} {
    %mul3A = arith.constant 2 : i32
    %mul3A_0 = arith.muli %arg1, %mul3A : i32
    %add3A = arith.addi %mul3A_0, %arg0 : i32
    %mul3A_1 = arith.constant 6400 : i32
    %mul3A_2 = arith.muli %add3A, %mul3A_1 : i32
    "tpu.region"() ({
      %run_scoped3A = tpu.sem_alloc : memref<!tpu.dma_semaphore, #tpu.memory_space<semaphore_mem>>
      %dma_start3A_390 = tpu.memref_slice %arg2[%mul3A_2] : memref<204800xi32, #tpu.memory_space<hbm>> -> memref<6400xi32, #tpu.memory_space<hbm>>
      %dma_start3A_391 = tpu.memref_slice %arg2[%mul3A_2] : memref<204800xi32, #tpu.memory_space<hbm>> -> memref<6400xi32, #tpu.memory_space<hbm>>
      tpu.enqueue_dma source(%dma_start3A_391 : memref<6400xi32, #tpu.memory_space<hbm>>) target(%arg5 : memref<6400xi32, #tpu.memory_space<vmem>>) target_semaphore(%run_scoped3A : memref<!tpu.dma_semaphore, #tpu.memory_space<semaphore_mem>>)
      %dma_wait3A_392 = tpu.memref_slice %arg2[%mul3A_2] : memref<204800xi32, #tpu.memory_space<hbm>> -> memref<6400xi32, #tpu.memory_space<hbm>>
      %dma_wait3A_393 = tpu.memref_slice %arg2[%mul3A_2] : memref<204800xi32, #tpu.memory_space<hbm>> -> memref<6400xi32, #tpu.memory_space<hbm>>
      tpu.wait_dma2 semaphore(%run_scoped3A : memref<!tpu.dma_semaphore, #tpu.memory_space<semaphore_mem>>) src(%dma_wait3A_393 : memref<6400xi32, #tpu.memory_space<hbm>>) dst(%arg5 : memref<6400xi32, #tpu.memory_space<vmem>>)
      tpu.yield
    }) : () -> ()
    %dma_start3A = arith.constant 0 : i32
    %dma_start3A_3 = arith.constant 0 : i32
    %dma_start3A_4 = arith.constant 0 : i32
    %dma_start3A_5 = tpu.memref_slice %arg6[%dma_start3A, %dma_start3A_3, %dma_start3A_4] : memref<8x80x128xf32, #tpu.memory_space<vmem>> -> memref<1x80x128xf32, #tpu.memory_space<vmem>>
    %dma_start3A_6 = tpu.memref_squeeze %dma_start3A_5 : memref<1x80x128xf32, #tpu.memory_space<vmem>> -> memref<80x128xf32, #tpu.memory_space<vmem>>
    %dma_start3A_7 = arith.constant 0 : i32
    %dma_start3A_8 = tpu.memref_slice %arg5[%dma_start3A_7] : memref<6400xi32, #tpu.memory_space<vmem>> -> memref<80xi32, #tpu.memory_space<vmem>>
    %dma_start3A_9 = arith.constant 0 : i32
    %dma_start3A_10 = arith.constant 0 : i32
    %dma_start3A_11 = tpu.memref_slice %arg3[%dma_start3A_9, %dma_start3A_10] : memref<100000x128xf32, #tpu.memory_space<hbm>> -> memref<100000x128xf32, #tpu.memory_space<hbm>>
    tpu.enqueue_indirect_dma source(%dma_start3A_11 : memref<100000x128xf32, #tpu.memory_space<hbm>>) target(%dma_start3A_6 : memref<80x128xf32, #tpu.memory_space<vmem>>) offsets(%dma_start3A_8 : memref<80xi32, #tpu.memory_space<vmem>>) semaphore(%arg7 : memref<!tpu.dma_semaphore, #tpu.memory_space<semaphore_mem>>)
    %dma_start3A_12 = arith.constant 1 : i32
    %dma_start3A_13 = arith.constant 0 : i32
    %dma_start3A_14 = arith.constant 0 : i32
    %dma_start3A_15 = tpu.memref_slice %arg6[%dma_start3A_12, %dma_start3A_13, %dma_start3A_14] : memref<8x80x128xf32, #tpu.memory_space<vmem>> -> memref<1x80x128xf32, #tpu.memory_space<vmem>>
    %dma_start3A_16 = tpu.memref_squeeze %dma_start3A_15 : memref<1x80x128xf32, #tpu.memory_space<vmem>> -> memref<80x128xf32, #tpu.memory_space<vmem>>
    %dma_start3A_17 = arith.constant 80 : i32
    %dma_start3A_18 = tpu.memref_slice %arg5[%dma_start3A_17] : memref<6400xi32, #tpu.memory_space<vmem>> -> memref<80xi32, #tpu.memory_space<vmem>>
    %dma_start3A_19 = arith.constant 0 : i32
    %dma_start3A_20 = arith.constant 0 : i32
    %dma_start3A_21 = tpu.memref_slice %arg3[%dma_start3A_19, %dma_start3A_20] : memref<100000x128xf32, #tpu.memory_space<hbm>> -> memref<100000x128xf32, #tpu.memory_space<hbm>>
    tpu.enqueue_indirect_dma source(%dma_start3A_21 : memref<100000x128xf32, #tpu.memory_space<hbm>>) target(%dma_start3A_16 : memref<80x128xf32, #tpu.memory_space<vmem>>) offsets(%dma_start3A_18 : memref<80xi32, #tpu.memory_space<vmem>>) semaphore(%arg8 : memref<!tpu.dma_semaphore, #tpu.memory_space<semaphore_mem>>)
    %dma_start3A_22 = arith.constant 2 : i32
    %dma_start3A_23 = arith.constant 0 : i32
    %dma_start3A_24 = arith.constant 0 : i32
    %dma_start3A_25 = tpu.memref_slice %arg6[%dma_start3A_22, %dma_start3A_23, %dma_start3A_24] : memref<8x80x128xf32, #tpu.memory_space<vmem>> -> memref<1x80x128xf32, #tpu.memory_space<vmem>>
    %dma_start3A_26 = tpu.memref_squeeze %dma_start3A_25 : memref<1x80x128xf32, #tpu.memory_space<vmem>> -> memref<80x128xf32, #tpu.memory_space<vmem>>
    %dma_start3A_27 = arith.constant 160 : i32
    %dma_start3A_28 = tpu.memref_slice %arg5[%dma_start3A_27] : memref<6400xi32, #tpu.memory_space<vmem>> -> memref<80xi32, #tpu.memory_space<vmem>>
    %dma_start3A_29 = arith.constant 0 : i32
    %dma_start3A_30 = arith.constant 0 : i32
    %dma_start3A_31 = tpu.memref_slice %arg3[%dma_start3A_29, %dma_start3A_30] : memref<100000x128xf32, #tpu.memory_space<hbm>> -> memref<100000x128xf32, #tpu.memory_space<hbm>>
    tpu.enqueue_indirect_dma source(%dma_start3A_31 : memref<100000x128xf32, #tpu.memory_space<hbm>>) target(%dma_start3A_26 : memref<80x128xf32, #tpu.memory_space<vmem>>) offsets(%dma_start3A_28 : memref<80xi32, #tpu.memory_space<vmem>>) semaphore(%arg9 : memref<!tpu.dma_semaphore, #tpu.memory_space<semaphore_mem>>)
    %dma_start3A_32 = arith.constant 3 : i32
    %dma_start3A_33 = arith.constant 0 : i32
    %dma_start3A_34 = arith.constant 0 : i32
    %dma_start3A_35 = tpu.memref_slice %arg6[%dma_start3A_32, %dma_start3A_33, %dma_start3A_34] : memref<8x80x128xf32, #tpu.memory_space<vmem>> -> memref<1x80x128xf32, #tpu.memory_space<vmem>>
    %dma_start3A_36 = tpu.memref_squeeze %dma_start3A_35 : memref<1x80x128xf32, #tpu.memory_space<vmem>> -> memref<80x128xf32, #tpu.memory_space<vmem>>
    %dma_start3A_37 = arith.constant 240 : i32
    %dma_start3A_38 = tpu.memref_slice %arg5[%dma_start3A_37] : memref<6400xi32, #tpu.memory_space<vmem>> -> memref<80xi32, #tpu.memory_space<vmem>>
    %dma_start3A_39 = arith.constant 0 : i32
    %dma_start3A_40 = arith.constant 0 : i32
    %dma_start3A_41 = tpu.memref_slice %arg3[%dma_start3A_39, %dma_start3A_40] : memref<100000x128xf32, #tpu.memory_space<hbm>> -> memref<100000x128xf32, #tpu.memory_space<hbm>>
    tpu.enqueue_indirect_dma source(%dma_start3A_41 : memref<100000x128xf32, #tpu.memory_space<hbm>>) target(%dma_start3A_36 : memref<80x128xf32, #tpu.memory_space<vmem>>) offsets(%dma_start3A_38 : memref<80xi32, #tpu.memory_space<vmem>>) semaphore(%arg10 : memref<!tpu.dma_semaphore, #tpu.memory_space<semaphore_mem>>)
    %dma_start3A_42 = arith.constant 4 : i32
    %dma_start3A_43 = arith.constant 0 : i32
    %dma_start3A_44 = arith.constant 0 : i32
    %dma_start3A_45 = tpu.memref_slice %arg6[%dma_start3A_42, %dma_start3A_43, %dma_start3A_44] : memref<8x80x128xf32, #tpu.memory_space<vmem>> -> memref<1x80x128xf32, #tpu.memory_space<vmem>>
    %dma_start3A_46 = tpu.memref_squeeze %dma_start3A_45 : memref<1x80x128xf32, #tpu.memory_space<vmem>> -> memref<80x128xf32, #tpu.memory_space<vmem>>
    %dma_start3A_47 = arith.constant 320 : i32
    %dma_start3A_48 = tpu.memref_slice %arg5[%dma_start3A_47] : memref<6400xi32, #tpu.memory_space<vmem>> -> memref<80xi32, #tpu.memory_space<vmem>>
    %dma_start3A_49 = arith.constant 0 : i32
    %dma_start3A_50 = arith.constant 0 : i32
    %dma_start3A_51 = tpu.memref_slice %arg3[%dma_start3A_49, %dma_start3A_50] : memref<100000x128xf32, #tpu.memory_space<hbm>> -> memref<100000x128xf32, #tpu.memory_space<hbm>>
    tpu.enqueue_indirect_dma source(%dma_start3A_51 : memref<100000x128xf32, #tpu.memory_space<hbm>>) target(%dma_start3A_46 : memref<80x128xf32, #tpu.memory_space<vmem>>) offsets(%dma_start3A_48 : memref<80xi32, #tpu.memory_space<vmem>>) semaphore(%arg11 : memref<!tpu.dma_semaphore, #tpu.memory_space<semaphore_mem>>)
    %dma_start3A_52 = arith.constant 5 : i32
    %dma_start3A_53 = arith.constant 0 : i32
    %dma_start3A_54 = arith.constant 0 : i32
    %dma_start3A_55 = tpu.memref_slice %arg6[%dma_start3A_52, %dma_start3A_53, %dma_start3A_54] : memref<8x80x128xf32, #tpu.memory_space<vmem>> -> memref<1x80x128xf32, #tpu.memory_space<vmem>>
    %dma_start3A_56 = tpu.memref_squeeze %dma_start3A_55 : memref<1x80x128xf32, #tpu.memory_space<vmem>> -> memref<80x128xf32, #tpu.memory_space<vmem>>
    %dma_start3A_57 = arith.constant 400 : i32
    %dma_start3A_58 = tpu.memref_slice %arg5[%dma_start3A_57] : memref<6400xi32, #tpu.memory_space<vmem>> -> memref<80xi32, #tpu.memory_space<vmem>>
    %dma_start3A_59 = arith.constant 0 : i32
    %dma_start3A_60 = arith.constant 0 : i32
    %dma_start3A_61 = tpu.memref_slice %arg3[%dma_start3A_59, %dma_start3A_60] : memref<100000x128xf32, #tpu.memory_space<hbm>> -> memref<100000x128xf32, #tpu.memory_space<hbm>>
    tpu.enqueue_indirect_dma source(%dma_start3A_61 : memref<100000x128xf32, #tpu.memory_space<hbm>>) target(%dma_start3A_56 : memref<80x128xf32, #tpu.memory_space<vmem>>) offsets(%dma_start3A_58 : memref<80xi32, #tpu.memory_space<vmem>>) semaphore(%arg12 : memref<!tpu.dma_semaphore, #tpu.memory_space<semaphore_mem>>)
    %dma_start3A_62 = arith.constant 6 : i32
    %dma_start3A_63 = arith.constant 0 : i32
    %dma_start3A_64 = arith.constant 0 : i32
    %dma_start3A_65 = tpu.memref_slice %arg6[%dma_start3A_62, %dma_start3A_63, %dma_start3A_64] : memref<8x80x128xf32, #tpu.memory_space<vmem>> -> memref<1x80x128xf32, #tpu.memory_space<vmem>>
    %dma_start3A_66 = tpu.memref_squeeze %dma_start3A_65 : memref<1x80x128xf32, #tpu.memory_space<vmem>> -> memref<80x128xf32, #tpu.memory_space<vmem>>
    %dma_start3A_67 = arith.constant 480 : i32
    %dma_start3A_68 = tpu.memref_slice %arg5[%dma_start3A_67] : memref<6400xi32, #tpu.memory_space<vmem>> -> memref<80xi32, #tpu.memory_space<vmem>>
    %dma_start3A_69 = arith.constant 0 : i32
    %dma_start3A_70 = arith.constant 0 : i32
    %dma_start3A_71 = tpu.memref_slice %arg3[%dma_start3A_69, %dma_start3A_70] : memref<100000x128xf32, #tpu.memory_space<hbm>> -> memref<100000x128xf32, #tpu.memory_space<hbm>>
    tpu.enqueue_indirect_dma source(%dma_start3A_71 : memref<100000x128xf32, #tpu.memory_space<hbm>>) target(%dma_start3A_66 : memref<80x128xf32, #tpu.memory_space<vmem>>) offsets(%dma_start3A_68 : memref<80xi32, #tpu.memory_space<vmem>>) semaphore(%arg13 : memref<!tpu.dma_semaphore, #tpu.memory_space<semaphore_mem>>)
    %dma_start3A_72 = arith.constant 7 : i32
    %dma_start3A_73 = arith.constant 0 : i32
    %dma_start3A_74 = arith.constant 0 : i32
    %dma_start3A_75 = tpu.memref_slice %arg6[%dma_start3A_72, %dma_start3A_73, %dma_start3A_74] : memref<8x80x128xf32, #tpu.memory_space<vmem>> -> memref<1x80x128xf32, #tpu.memory_space<vmem>>
    %dma_start3A_76 = tpu.memref_squeeze %dma_start3A_75 : memref<1x80x128xf32, #tpu.memory_space<vmem>> -> memref<80x128xf32, #tpu.memory_space<vmem>>
    %dma_start3A_77 = arith.constant 560 : i32
    %dma_start3A_78 = tpu.memref_slice %arg5[%dma_start3A_77] : memref<6400xi32, #tpu.memory_space<vmem>> -> memref<80xi32, #tpu.memory_space<vmem>>
    %dma_start3A_79 = arith.constant 0 : i32
    %dma_start3A_80 = arith.constant 0 : i32
    %dma_start3A_81 = tpu.memref_slice %arg3[%dma_start3A_79, %dma_start3A_80] : memref<100000x128xf32, #tpu.memory_space<hbm>> -> memref<100000x128xf32, #tpu.memory_space<hbm>>
    tpu.enqueue_indirect_dma source(%dma_start3A_81 : memref<100000x128xf32, #tpu.memory_space<hbm>>) target(%dma_start3A_76 : memref<80x128xf32, #tpu.memory_space<vmem>>) offsets(%dma_start3A_78 : memref<80xi32, #tpu.memory_space<vmem>>) semaphore(%arg14 : memref<!tpu.dma_semaphore, #tpu.memory_space<semaphore_mem>>)
    %dma_wait3A = arith.constant 0 : i32
    %dma_wait3A_82 = arith.constant 0 : i32
    %dma_wait3A_83 = arith.constant 0 : i32
    %dma_wait3A_84 = tpu.memref_slice %arg6[%dma_wait3A, %dma_wait3A_82, %dma_wait3A_83] : memref<8x80x128xf32, #tpu.memory_space<vmem>> -> memref<1x80x128xf32, #tpu.memory_space<vmem>>
    %dma_wait3A_85 = tpu.memref_squeeze %dma_wait3A_84 : memref<1x80x128xf32, #tpu.memory_space<vmem>> -> memref<80x128xf32, #tpu.memory_space<vmem>>
    %dma_wait3A_86 = arith.constant 0 : i32
    %dma_wait3A_87 = tpu.memref_slice %arg5[%dma_wait3A_86] : memref<6400xi32, #tpu.memory_space<vmem>> -> memref<80xi32, #tpu.memory_space<vmem>>
    %dma_wait3A_88 = arith.constant 0 : i32
    %dma_wait3A_89 = arith.constant 0 : i32
    %dma_wait3A_90 = tpu.memref_slice %arg3[%dma_wait3A_88, %dma_wait3A_89] : memref<100000x128xf32, #tpu.memory_space<hbm>> -> memref<100000x128xf32, #tpu.memory_space<hbm>>
    tpu.wait_indirect_dma semaphore(%arg7 : memref<!tpu.dma_semaphore, #tpu.memory_space<semaphore_mem>>) src(%dma_wait3A_90 : memref<100000x128xf32, #tpu.memory_space<hbm>>) dst(%dma_wait3A_85 : memref<80x128xf32, #tpu.memory_space<vmem>>)
    %add3A_91 = arith.constant 0 : i32
    %add3A_92 = arith.addi %mul3A_2, %add3A_91 : i32
    %dma_start3A_93 = arith.constant 0 : i32
    %dma_start3A_94 = arith.constant 0 : i32
    %dma_start3A_95 = arith.constant 0 : i32
    %dma_start3A_96 = tpu.memref_slice %arg6[%dma_start3A_93, %dma_start3A_94, %dma_start3A_95] : memref<8x80x128xf32, #tpu.memory_space<vmem>> -> memref<1x80x128xf32, #tpu.memory_space<vmem>>
    %dma_start3A_97 = tpu.memref_squeeze %dma_start3A_96 : memref<1x80x128xf32, #tpu.memory_space<vmem>> -> memref<80x128xf32, #tpu.memory_space<vmem>>
    %dma_start3A_98 = arith.constant 0 : i32
    %dma_start3A_99 = tpu.memref_slice %arg4[%add3A_92, %dma_start3A_98] : memref<204800x128xf32, #tpu.memory_space<hbm>> -> memref<80x128xf32, #tpu.memory_space<hbm>>
    %dma_start3A_100 = arith.constant 0 : i32
    %dma_start3A_101 = tpu.memref_slice %arg4[%add3A_92, %dma_start3A_100] : memref<204800x128xf32, #tpu.memory_space<hbm>> -> memref<80x128xf32, #tpu.memory_space<hbm>>
    %dma_start3A_102 = arith.constant 0 : i32
    %dma_start3A_103 = arith.constant 0 : i32
    %dma_start3A_104 = tpu.memref_slice %arg6[%dma_start3A_93, %dma_start3A_102, %dma_start3A_103] : memref<8x80x128xf32, #tpu.memory_space<vmem>> -> memref<1x80x128xf32, #tpu.memory_space<vmem>>
    %dma_start3A_105 = tpu.memref_squeeze %dma_start3A_104 : memref<1x80x128xf32, #tpu.memory_space<vmem>> -> memref<80x128xf32, #tpu.memory_space<vmem>>
    tpu.enqueue_dma source(%dma_start3A_105 : memref<80x128xf32, #tpu.memory_space<vmem>>) target(%dma_start3A_101 : memref<80x128xf32, #tpu.memory_space<hbm>>) target_semaphore(%arg15 : memref<!tpu.dma_semaphore, #tpu.memory_space<semaphore_mem>>)
    %dma_wait3A_106 = arith.constant 1 : i32
    %dma_wait3A_107 = arith.constant 0 : i32
    %dma_wait3A_108 = arith.constant 0 : i32
    %dma_wait3A_109 = tpu.memref_slice %arg6[%dma_wait3A_106, %dma_wait3A_107, %dma_wait3A_108] : memref<8x80x128xf32, #tpu.memory_space<vmem>> -> memref<1x80x128xf32, #tpu.memory_space<vmem>>
    %dma_wait3A_110 = tpu.memref_squeeze %dma_wait3A_109 : memref<1x80x128xf32, #tpu.memory_space<vmem>> -> memref<80x128xf32, #tpu.memory_space<vmem>>
    %dma_wait3A_111 = arith.constant 80 : i32
    %dma_wait3A_112 = tpu.memref_slice %arg5[%dma_wait3A_111] : memref<6400xi32, #tpu.memory_space<vmem>> -> memref<80xi32, #tpu.memory_space<vmem>>
    %dma_wait3A_113 = arith.constant 0 : i32
    %dma_wait3A_114 = arith.constant 0 : i32
    %dma_wait3A_115 = tpu.memref_slice %arg3[%dma_wait3A_113, %dma_wait3A_114] : memref<100000x128xf32, #tpu.memory_space<hbm>> -> memref<100000x128xf32, #tpu.memory_space<hbm>>
    tpu.wait_indirect_dma semaphore(%arg8 : memref<!tpu.dma_semaphore, #tpu.memory_space<semaphore_mem>>) src(%dma_wait3A_115 : memref<100000x128xf32, #tpu.memory_space<hbm>>) dst(%dma_wait3A_110 : memref<80x128xf32, #tpu.memory_space<vmem>>)
    %add3A_116 = arith.constant 80 : i32
    %add3A_117 = arith.addi %mul3A_2, %add3A_116 : i32
    %dma_start3A_118 = arith.constant 1 : i32
    %dma_start3A_119 = arith.constant 0 : i32
    %dma_start3A_120 = arith.constant 0 : i32
    %dma_start3A_121 = tpu.memref_slice %arg6[%dma_start3A_118, %dma_start3A_119, %dma_start3A_120] : memref<8x80x128xf32, #tpu.memory_space<vmem>> -> memref<1x80x128xf32, #tpu.memory_space<vmem>>
    %dma_start3A_122 = tpu.memref_squeeze %dma_start3A_121 : memref<1x80x128xf32, #tpu.memory_space<vmem>> -> memref<80x128xf32, #tpu.memory_space<vmem>>
    %dma_start3A_123 = arith.constant 0 : i32
    %dma_start3A_124 = tpu.memref_slice %arg4[%add3A_117, %dma_start3A_123] : memref<204800x128xf32, #tpu.memory_space<hbm>> -> memref<80x128xf32, #tpu.memory_space<hbm>>
    %dma_start3A_125 = arith.constant 0 : i32
    %dma_start3A_126 = tpu.memref_slice %arg4[%add3A_117, %dma_start3A_125] : memref<204800x128xf32, #tpu.memory_space<hbm>> -> memref<80x128xf32, #tpu.memory_space<hbm>>
    %dma_start3A_127 = arith.constant 0 : i32
    %dma_start3A_128 = arith.constant 0 : i32
    %dma_start3A_129 = tpu.memref_slice %arg6[%dma_start3A_118, %dma_start3A_127, %dma_start3A_128] : memref<8x80x128xf32, #tpu.memory_space<vmem>> -> memref<1x80x128xf32, #tpu.memory_space<vmem>>
    %dma_start3A_130 = tpu.memref_squeeze %dma_start3A_129 : memref<1x80x128xf32, #tpu.memory_space<vmem>> -> memref<80x128xf32, #tpu.memory_space<vmem>>
    tpu.enqueue_dma source(%dma_start3A_130 : memref<80x128xf32, #tpu.memory_space<vmem>>) target(%dma_start3A_126 : memref<80x128xf32, #tpu.memory_space<hbm>>) target_semaphore(%arg16 : memref<!tpu.dma_semaphore, #tpu.memory_space<semaphore_mem>>)
    %dma_wait3A_131 = arith.constant 2 : i32
    %dma_wait3A_132 = arith.constant 0 : i32
    %dma_wait3A_133 = arith.constant 0 : i32
    %dma_wait3A_134 = tpu.memref_slice %arg6[%dma_wait3A_131, %dma_wait3A_132, %dma_wait3A_133] : memref<8x80x128xf32, #tpu.memory_space<vmem>> -> memref<1x80x128xf32, #tpu.memory_space<vmem>>
    %dma_wait3A_135 = tpu.memref_squeeze %dma_wait3A_134 : memref<1x80x128xf32, #tpu.memory_space<vmem>> -> memref<80x128xf32, #tpu.memory_space<vmem>>
    %dma_wait3A_136 = arith.constant 160 : i32
    %dma_wait3A_137 = tpu.memref_slice %arg5[%dma_wait3A_136] : memref<6400xi32, #tpu.memory_space<vmem>> -> memref<80xi32, #tpu.memory_space<vmem>>
    %dma_wait3A_138 = arith.constant 0 : i32
    %dma_wait3A_139 = arith.constant 0 : i32
    %dma_wait3A_140 = tpu.memref_slice %arg3[%dma_wait3A_138, %dma_wait3A_139] : memref<100000x128xf32, #tpu.memory_space<hbm>> -> memref<100000x128xf32, #tpu.memory_space<hbm>>
    tpu.wait_indirect_dma semaphore(%arg9 : memref<!tpu.dma_semaphore, #tpu.memory_space<semaphore_mem>>) src(%dma_wait3A_140 : memref<100000x128xf32, #tpu.memory_space<hbm>>) dst(%dma_wait3A_135 : memref<80x128xf32, #tpu.memory_space<vmem>>)
    %add3A_141 = arith.constant 160 : i32
    %add3A_142 = arith.addi %mul3A_2, %add3A_141 : i32
    %dma_start3A_143 = arith.constant 2 : i32
    %dma_start3A_144 = arith.constant 0 : i32
    %dma_start3A_145 = arith.constant 0 : i32
    %dma_start3A_146 = tpu.memref_slice %arg6[%dma_start3A_143, %dma_start3A_144, %dma_start3A_145] : memref<8x80x128xf32, #tpu.memory_space<vmem>> -> memref<1x80x128xf32, #tpu.memory_space<vmem>>
    %dma_start3A_147 = tpu.memref_squeeze %dma_start3A_146 : memref<1x80x128xf32, #tpu.memory_space<vmem>> -> memref<80x128xf32, #tpu.memory_space<vmem>>
    %dma_start3A_148 = arith.constant 0 : i32
    %dma_start3A_149 = tpu.memref_slice %arg4[%add3A_142, %dma_start3A_148] : memref<204800x128xf32, #tpu.memory_space<hbm>> -> memref<80x128xf32, #tpu.memory_space<hbm>>
    %dma_start3A_150 = arith.constant 0 : i32
    %dma_start3A_151 = tpu.memref_slice %arg4[%add3A_142, %dma_start3A_150] : memref<204800x128xf32, #tpu.memory_space<hbm>> -> memref<80x128xf32, #tpu.memory_space<hbm>>
    %dma_start3A_152 = arith.constant 0 : i32
    %dma_start3A_153 = arith.constant 0 : i32
    %dma_start3A_154 = tpu.memref_slice %arg6[%dma_start3A_143, %dma_start3A_152, %dma_start3A_153] : memref<8x80x128xf32, #tpu.memory_space<vmem>> -> memref<1x80x128xf32, #tpu.memory_space<vmem>>
    %dma_start3A_155 = tpu.memref_squeeze %dma_start3A_154 : memref<1x80x128xf32, #tpu.memory_space<vmem>> -> memref<80x128xf32, #tpu.memory_space<vmem>>
    tpu.enqueue_dma source(%dma_start3A_155 : memref<80x128xf32, #tpu.memory_space<vmem>>) target(%dma_start3A_151 : memref<80x128xf32, #tpu.memory_space<hbm>>) target_semaphore(%arg17 : memref<!tpu.dma_semaphore, #tpu.memory_space<semaphore_mem>>)
    %dma_wait3A_156 = arith.constant 3 : i32
    %dma_wait3A_157 = arith.constant 0 : i32
    %dma_wait3A_158 = arith.constant 0 : i32
    %dma_wait3A_159 = tpu.memref_slice %arg6[%dma_wait3A_156, %dma_wait3A_157, %dma_wait3A_158] : memref<8x80x128xf32, #tpu.memory_space<vmem>> -> memref<1x80x128xf32, #tpu.memory_space<vmem>>
    %dma_wait3A_160 = tpu.memref_squeeze %dma_wait3A_159 : memref<1x80x128xf32, #tpu.memory_space<vmem>> -> memref<80x128xf32, #tpu.memory_space<vmem>>
    %dma_wait3A_161 = arith.constant 240 : i32
    %dma_wait3A_162 = tpu.memref_slice %arg5[%dma_wait3A_161] : memref<6400xi32, #tpu.memory_space<vmem>> -> memref<80xi32, #tpu.memory_space<vmem>>
    %dma_wait3A_163 = arith.constant 0 : i32
    %dma_wait3A_164 = arith.constant 0 : i32
    %dma_wait3A_165 = tpu.memref_slice %arg3[%dma_wait3A_163, %dma_wait3A_164] : memref<100000x128xf32, #tpu.memory_space<hbm>> -> memref<100000x128xf32, #tpu.memory_space<hbm>>
    tpu.wait_indirect_dma semaphore(%arg10 : memref<!tpu.dma_semaphore, #tpu.memory_space<semaphore_mem>>) src(%dma_wait3A_165 : memref<100000x128xf32, #tpu.memory_space<hbm>>) dst(%dma_wait3A_160 : memref<80x128xf32, #tpu.memory_space<vmem>>)
    %add3A_166 = arith.constant 240 : i32
    %add3A_167 = arith.addi %mul3A_2, %add3A_166 : i32
    %dma_start3A_168 = arith.constant 3 : i32
    %dma_start3A_169 = arith.constant 0 : i32
    %dma_start3A_170 = arith.constant 0 : i32
    %dma_start3A_171 = tpu.memref_slice %arg6[%dma_start3A_168, %dma_start3A_169, %dma_start3A_170] : memref<8x80x128xf32, #tpu.memory_space<vmem>> -> memref<1x80x128xf32, #tpu.memory_space<vmem>>
    %dma_start3A_172 = tpu.memref_squeeze %dma_start3A_171 : memref<1x80x128xf32, #tpu.memory_space<vmem>> -> memref<80x128xf32, #tpu.memory_space<vmem>>
    %dma_start3A_173 = arith.constant 0 : i32
    %dma_start3A_174 = tpu.memref_slice %arg4[%add3A_167, %dma_start3A_173] : memref<204800x128xf32, #tpu.memory_space<hbm>> -> memref<80x128xf32, #tpu.memory_space<hbm>>
    %dma_start3A_175 = arith.constant 0 : i32
    %dma_start3A_176 = tpu.memref_slice %arg4[%add3A_167, %dma_start3A_175] : memref<204800x128xf32, #tpu.memory_space<hbm>> -> memref<80x128xf32, #tpu.memory_space<hbm>>
    %dma_start3A_177 = arith.constant 0 : i32
    %dma_start3A_178 = arith.constant 0 : i32
    %dma_start3A_179 = tpu.memref_slice %arg6[%dma_start3A_168, %dma_start3A_177, %dma_start3A_178] : memref<8x80x128xf32, #tpu.memory_space<vmem>> -> memref<1x80x128xf32, #tpu.memory_space<vmem>>
    %dma_start3A_180 = tpu.memref_squeeze %dma_start3A_179 : memref<1x80x128xf32, #tpu.memory_space<vmem>> -> memref<80x128xf32, #tpu.memory_space<vmem>>
    tpu.enqueue_dma source(%dma_start3A_180 : memref<80x128xf32, #tpu.memory_space<vmem>>) target(%dma_start3A_176 : memref<80x128xf32, #tpu.memory_space<hbm>>) target_semaphore(%arg18 : memref<!tpu.dma_semaphore, #tpu.memory_space<semaphore_mem>>)
    %dma_wait3A_181 = arith.constant 4 : i32
    %dma_wait3A_182 = arith.constant 0 : i32
    %dma_wait3A_183 = arith.constant 0 : i32
    %dma_wait3A_184 = tpu.memref_slice %arg6[%dma_wait3A_181, %dma_wait3A_182, %dma_wait3A_183] : memref<8x80x128xf32, #tpu.memory_space<vmem>> -> memref<1x80x128xf32, #tpu.memory_space<vmem>>
    %dma_wait3A_185 = tpu.memref_squeeze %dma_wait3A_184 : memref<1x80x128xf32, #tpu.memory_space<vmem>> -> memref<80x128xf32, #tpu.memory_space<vmem>>
    %dma_wait3A_186 = arith.constant 320 : i32
    %dma_wait3A_187 = tpu.memref_slice %arg5[%dma_wait3A_186] : memref<6400xi32, #tpu.memory_space<vmem>> -> memref<80xi32, #tpu.memory_space<vmem>>
    %dma_wait3A_188 = arith.constant 0 : i32
    %dma_wait3A_189 = arith.constant 0 : i32
    %dma_wait3A_190 = tpu.memref_slice %arg3[%dma_wait3A_188, %dma_wait3A_189] : memref<100000x128xf32, #tpu.memory_space<hbm>> -> memref<100000x128xf32, #tpu.memory_space<hbm>>
    tpu.wait_indirect_dma semaphore(%arg11 : memref<!tpu.dma_semaphore, #tpu.memory_space<semaphore_mem>>) src(%dma_wait3A_190 : memref<100000x128xf32, #tpu.memory_space<hbm>>) dst(%dma_wait3A_185 : memref<80x128xf32, #tpu.memory_space<vmem>>)
    %add3A_191 = arith.constant 320 : i32
    %add3A_192 = arith.addi %mul3A_2, %add3A_191 : i32
    %dma_start3A_193 = arith.constant 4 : i32
    %dma_start3A_194 = arith.constant 0 : i32
    %dma_start3A_195 = arith.constant 0 : i32
    %dma_start3A_196 = tpu.memref_slice %arg6[%dma_start3A_193, %dma_start3A_194, %dma_start3A_195] : memref<8x80x128xf32, #tpu.memory_space<vmem>> -> memref<1x80x128xf32, #tpu.memory_space<vmem>>
    %dma_start3A_197 = tpu.memref_squeeze %dma_start3A_196 : memref<1x80x128xf32, #tpu.memory_space<vmem>> -> memref<80x128xf32, #tpu.memory_space<vmem>>
    %dma_start3A_198 = arith.constant 0 : i32
    %dma_start3A_199 = tpu.memref_slice %arg4[%add3A_192, %dma_start3A_198] : memref<204800x128xf32, #tpu.memory_space<hbm>> -> memref<80x128xf32, #tpu.memory_space<hbm>>
    %dma_start3A_200 = arith.constant 0 : i32
    %dma_start3A_201 = tpu.memref_slice %arg4[%add3A_192, %dma_start3A_200] : memref<204800x128xf32, #tpu.memory_space<hbm>> -> memref<80x128xf32, #tpu.memory_space<hbm>>
    %dma_start3A_202 = arith.constant 0 : i32
    %dma_start3A_203 = arith.constant 0 : i32
    %dma_start3A_204 = tpu.memref_slice %arg6[%dma_start3A_193, %dma_start3A_202, %dma_start3A_203] : memref<8x80x128xf32, #tpu.memory_space<vmem>> -> memref<1x80x128xf32, #tpu.memory_space<vmem>>
    %dma_start3A_205 = tpu.memref_squeeze %dma_start3A_204 : memref<1x80x128xf32, #tpu.memory_space<vmem>> -> memref<80x128xf32, #tpu.memory_space<vmem>>
    tpu.enqueue_dma source(%dma_start3A_205 : memref<80x128xf32, #tpu.memory_space<vmem>>) target(%dma_start3A_201 : memref<80x128xf32, #tpu.memory_space<hbm>>) target_semaphore(%arg19 : memref<!tpu.dma_semaphore, #tpu.memory_space<semaphore_mem>>)
    %dma_wait3A_206 = arith.constant 5 : i32
    %dma_wait3A_207 = arith.constant 0 : i32
    %dma_wait3A_208 = arith.constant 0 : i32
    %dma_wait3A_209 = tpu.memref_slice %arg6[%dma_wait3A_206, %dma_wait3A_207, %dma_wait3A_208] : memref<8x80x128xf32, #tpu.memory_space<vmem>> -> memref<1x80x128xf32, #tpu.memory_space<vmem>>
    %dma_wait3A_210 = tpu.memref_squeeze %dma_wait3A_209 : memref<1x80x128xf32, #tpu.memory_space<vmem>> -> memref<80x128xf32, #tpu.memory_space<vmem>>
    %dma_wait3A_211 = arith.constant 400 : i32
    %dma_wait3A_212 = tpu.memref_slice %arg5[%dma_wait3A_211] : memref<6400xi32, #tpu.memory_space<vmem>> -> memref<80xi32, #tpu.memory_space<vmem>>
    %dma_wait3A_213 = arith.constant 0 : i32
    %dma_wait3A_214 = arith.constant 0 : i32
    %dma_wait3A_215 = tpu.memref_slice %arg3[%dma_wait3A_213, %dma_wait3A_214] : memref<100000x128xf32, #tpu.memory_space<hbm>> -> memref<100000x128xf32, #tpu.memory_space<hbm>>
    tpu.wait_indirect_dma semaphore(%arg12 : memref<!tpu.dma_semaphore, #tpu.memory_space<semaphore_mem>>) src(%dma_wait3A_215 : memref<100000x128xf32, #tpu.memory_space<hbm>>) dst(%dma_wait3A_210 : memref<80x128xf32, #tpu.memory_space<vmem>>)
    %add3A_216 = arith.constant 400 : i32
    %add3A_217 = arith.addi %mul3A_2, %add3A_216 : i32
    %dma_start3A_218 = arith.constant 5 : i32
    %dma_start3A_219 = arith.constant 0 : i32
    %dma_start3A_220 = arith.constant 0 : i32
    %dma_start3A_221 = tpu.memref_slice %arg6[%dma_start3A_218, %dma_start3A_219, %dma_start3A_220] : memref<8x80x128xf32, #tpu.memory_space<vmem>> -> memref<1x80x128xf32, #tpu.memory_space<vmem>>
    %dma_start3A_222 = tpu.memref_squeeze %dma_start3A_221 : memref<1x80x128xf32, #tpu.memory_space<vmem>> -> memref<80x128xf32, #tpu.memory_space<vmem>>
    %dma_start3A_223 = arith.constant 0 : i32
    %dma_start3A_224 = tpu.memref_slice %arg4[%add3A_217, %dma_start3A_223] : memref<204800x128xf32, #tpu.memory_space<hbm>> -> memref<80x128xf32, #tpu.memory_space<hbm>>
    %dma_start3A_225 = arith.constant 0 : i32
    %dma_start3A_226 = tpu.memref_slice %arg4[%add3A_217, %dma_start3A_225] : memref<204800x128xf32, #tpu.memory_space<hbm>> -> memref<80x128xf32, #tpu.memory_space<hbm>>
    %dma_start3A_227 = arith.constant 0 : i32
    %dma_start3A_228 = arith.constant 0 : i32
    %dma_start3A_229 = tpu.memref_slice %arg6[%dma_start3A_218, %dma_start3A_227, %dma_start3A_228] : memref<8x80x128xf32, #tpu.memory_space<vmem>> -> memref<1x80x128xf32, #tpu.memory_space<vmem>>
    %dma_start3A_230 = tpu.memref_squeeze %dma_start3A_229 : memref<1x80x128xf32, #tpu.memory_space<vmem>> -> memref<80x128xf32, #tpu.memory_space<vmem>>
    tpu.enqueue_dma source(%dma_start3A_230 : memref<80x128xf32, #tpu.memory_space<vmem>>) target(%dma_start3A_226 : memref<80x128xf32, #tpu.memory_space<hbm>>) target_semaphore(%arg20 : memref<!tpu.dma_semaphore, #tpu.memory_space<semaphore_mem>>)
    %dma_wait3A_231 = arith.constant 6 : i32
    %dma_wait3A_232 = arith.constant 0 : i32
    %dma_wait3A_233 = arith.constant 0 : i32
    %dma_wait3A_234 = tpu.memref_slice %arg6[%dma_wait3A_231, %dma_wait3A_232, %dma_wait3A_233] : memref<8x80x128xf32, #tpu.memory_space<vmem>> -> memref<1x80x128xf32, #tpu.memory_space<vmem>>
    %dma_wait3A_235 = tpu.memref_squeeze %dma_wait3A_234 : memref<1x80x128xf32, #tpu.memory_space<vmem>> -> memref<80x128xf32, #tpu.memory_space<vmem>>
    %dma_wait3A_236 = arith.constant 480 : i32
    %dma_wait3A_237 = tpu.memref_slice %arg5[%dma_wait3A_236] : memref<6400xi32, #tpu.memory_space<vmem>> -> memref<80xi32, #tpu.memory_space<vmem>>
    %dma_wait3A_238 = arith.constant 0 : i32
    %dma_wait3A_239 = arith.constant 0 : i32
    %dma_wait3A_240 = tpu.memref_slice %arg3[%dma_wait3A_238, %dma_wait3A_239] : memref<100000x128xf32, #tpu.memory_space<hbm>> -> memref<100000x128xf32, #tpu.memory_space<hbm>>
    tpu.wait_indirect_dma semaphore(%arg13 : memref<!tpu.dma_semaphore, #tpu.memory_space<semaphore_mem>>) src(%dma_wait3A_240 : memref<100000x128xf32, #tpu.memory_space<hbm>>) dst(%dma_wait3A_235 : memref<80x128xf32, #tpu.memory_space<vmem>>)
    %add3A_241 = arith.constant 480 : i32
    %add3A_242 = arith.addi %mul3A_2, %add3A_241 : i32
    %dma_start3A_243 = arith.constant 6 : i32
    %dma_start3A_244 = arith.constant 0 : i32
    %dma_start3A_245 = arith.constant 0 : i32
    %dma_start3A_246 = tpu.memref_slice %arg6[%dma_start3A_243, %dma_start3A_244, %dma_start3A_245] : memref<8x80x128xf32, #tpu.memory_space<vmem>> -> memref<1x80x128xf32, #tpu.memory_space<vmem>>
    %dma_start3A_247 = tpu.memref_squeeze %dma_start3A_246 : memref<1x80x128xf32, #tpu.memory_space<vmem>> -> memref<80x128xf32, #tpu.memory_space<vmem>>
    %dma_start3A_248 = arith.constant 0 : i32
    %dma_start3A_249 = tpu.memref_slice %arg4[%add3A_242, %dma_start3A_248] : memref<204800x128xf32, #tpu.memory_space<hbm>> -> memref<80x128xf32, #tpu.memory_space<hbm>>
    %dma_start3A_250 = arith.constant 0 : i32
    %dma_start3A_251 = tpu.memref_slice %arg4[%add3A_242, %dma_start3A_250] : memref<204800x128xf32, #tpu.memory_space<hbm>> -> memref<80x128xf32, #tpu.memory_space<hbm>>
    %dma_start3A_252 = arith.constant 0 : i32
    %dma_start3A_253 = arith.constant 0 : i32
    %dma_start3A_254 = tpu.memref_slice %arg6[%dma_start3A_243, %dma_start3A_252, %dma_start3A_253] : memref<8x80x128xf32, #tpu.memory_space<vmem>> -> memref<1x80x128xf32, #tpu.memory_space<vmem>>
    %dma_start3A_255 = tpu.memref_squeeze %dma_start3A_254 : memref<1x80x128xf32, #tpu.memory_space<vmem>> -> memref<80x128xf32, #tpu.memory_space<vmem>>
    tpu.enqueue_dma source(%dma_start3A_255 : memref<80x128xf32, #tpu.memory_space<vmem>>) target(%dma_start3A_251 : memref<80x128xf32, #tpu.memory_space<hbm>>) target_semaphore(%arg21 : memref<!tpu.dma_semaphore, #tpu.memory_space<semaphore_mem>>)
    %dma_wait3A_256 = arith.constant 7 : i32
    %dma_wait3A_257 = arith.constant 0 : i32
    %dma_wait3A_258 = arith.constant 0 : i32
    %dma_wait3A_259 = tpu.memref_slice %arg6[%dma_wait3A_256, %dma_wait3A_257, %dma_wait3A_258] : memref<8x80x128xf32, #tpu.memory_space<vmem>> -> memref<1x80x128xf32, #tpu.memory_space<vmem>>
    %dma_wait3A_260 = tpu.memref_squeeze %dma_wait3A_259 : memref<1x80x128xf32, #tpu.memory_space<vmem>> -> memref<80x128xf32, #tpu.memory_space<vmem>>
    %dma_wait3A_261 = arith.constant 560 : i32
    %dma_wait3A_262 = tpu.memref_slice %arg5[%dma_wait3A_261] : memref<6400xi32, #tpu.memory_space<vmem>> -> memref<80xi32, #tpu.memory_space<vmem>>
    %dma_wait3A_263 = arith.constant 0 : i32
    %dma_wait3A_264 = arith.constant 0 : i32
    %dma_wait3A_265 = tpu.memref_slice %arg3[%dma_wait3A_263, %dma_wait3A_264] : memref<100000x128xf32, #tpu.memory_space<hbm>> -> memref<100000x128xf32, #tpu.memory_space<hbm>>
    tpu.wait_indirect_dma semaphore(%arg14 : memref<!tpu.dma_semaphore, #tpu.memory_space<semaphore_mem>>) src(%dma_wait3A_265 : memref<100000x128xf32, #tpu.memory_space<hbm>>) dst(%dma_wait3A_260 : memref<80x128xf32, #tpu.memory_space<vmem>>)
    %add3A_266 = arith.constant 560 : i32
    %add3A_267 = arith.addi %mul3A_2, %add3A_266 : i32
    %dma_start3A_268 = arith.constant 7 : i32
    %dma_start3A_269 = arith.constant 0 : i32
    %dma_start3A_270 = arith.constant 0 : i32
    %dma_start3A_271 = tpu.memref_slice %arg6[%dma_start3A_268, %dma_start3A_269, %dma_start3A_270] : memref<8x80x128xf32, #tpu.memory_space<vmem>> -> memref<1x80x128xf32, #tpu.memory_space<vmem>>
    %dma_start3A_272 = tpu.memref_squeeze %dma_start3A_271 : memref<1x80x128xf32, #tpu.memory_space<vmem>> -> memref<80x128xf32, #tpu.memory_space<vmem>>
    %dma_start3A_273 = arith.constant 0 : i32
    %dma_start3A_274 = tpu.memref_slice %arg4[%add3A_267, %dma_start3A_273] : memref<204800x128xf32, #tpu.memory_space<hbm>> -> memref<80x128xf32, #tpu.memory_space<hbm>>
    %dma_start3A_275 = arith.constant 0 : i32
    %dma_start3A_276 = tpu.memref_slice %arg4[%add3A_267, %dma_start3A_275] : memref<204800x128xf32, #tpu.memory_space<hbm>> -> memref<80x128xf32, #tpu.memory_space<hbm>>
    %dma_start3A_277 = arith.constant 0 : i32
    %dma_start3A_278 = arith.constant 0 : i32
    %dma_start3A_279 = tpu.memref_slice %arg6[%dma_start3A_268, %dma_start3A_277, %dma_start3A_278] : memref<8x80x128xf32, #tpu.memory_space<vmem>> -> memref<1x80x128xf32, #tpu.memory_space<vmem>>
    %dma_start3A_280 = tpu.memref_squeeze %dma_start3A_279 : memref<1x80x128xf32, #tpu.memory_space<vmem>> -> memref<80x128xf32, #tpu.memory_space<vmem>>
    tpu.enqueue_dma source(%dma_start3A_280 : memref<80x128xf32, #tpu.memory_space<vmem>>) target(%dma_start3A_276 : memref<80x128xf32, #tpu.memory_space<hbm>>) target_semaphore(%arg22 : memref<!tpu.dma_semaphore, #tpu.memory_space<semaphore_mem>>)
    %scan3A = arith.constant 0 : i32
    %scan3A_281 = arith.constant 1 : i32
    %scan3A_282 = arith.constant 9 : i32
    %scan3A_283 = arith.addi %scan3A_281, %scan3A_282 : i32
    %scan3A_284 = arith.constant 1 : i32
    scf.for %scan3A_390 = %scan3A_281 to %scan3A_283 step %scan3A_284  : i32 {
      %mul3A_391 = arith.constant 8 : i32
      %mul3A_392 = arith.muli %scan3A_390, %mul3A_391 : i32
      %dma_wait3A_393 = arith.constant 0 : i32
      %dma_wait3A_394 = arith.constant 0 : i32
      %dma_wait3A_395 = arith.constant 0 : i32
      %dma_wait3A_396 = tpu.memref_slice %arg6[%dma_wait3A_393, %dma_wait3A_394, %dma_wait3A_395] : memref<8x80x128xf32, #tpu.memory_space<vmem>> -> memref<1x80x128xf32, #tpu.memory_space<vmem>>
      %dma_wait3A_397 = tpu.memref_squeeze %dma_wait3A_396 : memref<1x80x128xf32, #tpu.memory_space<vmem>> -> memref<80x128xf32, #tpu.memory_space<vmem>>
      %dma_wait3A_398 = arith.constant 0 : i32
      %dma_wait3A_399 = tpu.memref_slice %arg4[%mul3A_2, %dma_wait3A_398] : memref<204800x128xf32, #tpu.memory_space<hbm>> -> memref<80x128xf32, #tpu.memory_space<hbm>>
      %dma_wait3A_400 = arith.constant 0 : i32
      %dma_wait3A_401 = tpu.memref_slice %arg4[%mul3A_2, %dma_wait3A_400] : memref<204800x128xf32, #tpu.memory_space<hbm>> -> memref<80x128xf32, #tpu.memory_space<hbm>>
      %dma_wait3A_402 = arith.constant 0 : i32
      %dma_wait3A_403 = arith.constant 0 : i32
      %dma_wait3A_404 = tpu.memref_slice %arg6[%dma_wait3A_393, %dma_wait3A_402, %dma_wait3A_403] : memref<8x80x128xf32, #tpu.memory_space<vmem>> -> memref<1x80x128xf32, #tpu.memory_space<vmem>>
      %dma_wait3A_405 = tpu.memref_squeeze %dma_wait3A_404 : memref<1x80x128xf32, #tpu.memory_space<vmem>> -> memref<80x128xf32, #tpu.memory_space<vmem>>
      tpu.wait_dma2 semaphore(%arg15 : memref<!tpu.dma_semaphore, #tpu.memory_space<semaphore_mem>>) src(%dma_wait3A_405 : memref<80x128xf32, #tpu.memory_space<vmem>>) dst(%dma_wait3A_401 : memref<80x128xf32, #tpu.memory_space<hbm>>)
      %add3A_406 = arith.constant 0 : i32
      %add3A_407 = arith.addi %mul3A_392, %add3A_406 : i32
      %mul3A_408 = arith.constant 80 : i32
      %mul3A_409 = arith.muli %add3A_407, %mul3A_408 : i32
      %dma_start3A_410 = arith.constant 0 : i32
      %dma_start3A_411 = arith.constant 0 : i32
      %dma_start3A_412 = arith.constant 0 : i32
      %dma_start3A_413 = tpu.memref_slice %arg6[%dma_start3A_410, %dma_start3A_411, %dma_start3A_412] : memref<8x80x128xf32, #tpu.memory_space<vmem>> -> memref<1x80x128xf32, #tpu.memory_space<vmem>>
      %dma_start3A_414 = tpu.memref_squeeze %dma_start3A_413 : memref<1x80x128xf32, #tpu.memory_space<vmem>> -> memref<80x128xf32, #tpu.memory_space<vmem>>
      %dma_start3A_415 = tpu.memref_slice %arg5[%mul3A_409] : memref<6400xi32, #tpu.memory_space<vmem>> -> memref<80xi32, #tpu.memory_space<vmem>>
      %dma_start3A_416 = arith.constant 0 : i32
      %dma_start3A_417 = arith.constant 0 : i32
      %dma_start3A_418 = tpu.memref_slice %arg3[%dma_start3A_416, %dma_start3A_417] : memref<100000x128xf32, #tpu.memory_space<hbm>> -> memref<100000x128xf32, #tpu.memory_space<hbm>>
      tpu.enqueue_indirect_dma source(%dma_start3A_418 : memref<100000x128xf32, #tpu.memory_space<hbm>>) target(%dma_start3A_414 : memref<80x128xf32, #tpu.memory_space<vmem>>) offsets(%dma_start3A_415 : memref<80xi32, #tpu.memory_space<vmem>>) semaphore(%arg7 : memref<!tpu.dma_semaphore, #tpu.memory_space<semaphore_mem>>)
      %dma_wait3A_419 = arith.constant 1 : i32
      %dma_wait3A_420 = arith.constant 0 : i32
      %dma_wait3A_421 = arith.constant 0 : i32
      %dma_wait3A_422 = tpu.memref_slice %arg6[%dma_wait3A_419, %dma_wait3A_420, %dma_wait3A_421] : memref<8x80x128xf32, #tpu.memory_space<vmem>> -> memref<1x80x128xf32, #tpu.memory_space<vmem>>
      %dma_wait3A_423 = tpu.memref_squeeze %dma_wait3A_422 : memref<1x80x128xf32, #tpu.memory_space<vmem>> -> memref<80x128xf32, #tpu.memory_space<vmem>>
      %dma_wait3A_424 = arith.constant 0 : i32
      %dma_wait3A_425 = tpu.memref_slice %arg4[%mul3A_2, %dma_wait3A_424] : memref<204800x128xf32, #tpu.memory_space<hbm>> -> memref<80x128xf32, #tpu.memory_space<hbm>>
      %dma_wait3A_426 = arith.constant 0 : i32
      %dma_wait3A_427 = tpu.memref_slice %arg4[%mul3A_2, %dma_wait3A_426] : memref<204800x128xf32, #tpu.memory_space<hbm>> -> memref<80x128xf32, #tpu.memory_space<hbm>>
      %dma_wait3A_428 = arith.constant 0 : i32
      %dma_wait3A_429 = arith.constant 0 : i32
      %dma_wait3A_430 = tpu.memref_slice %arg6[%dma_wait3A_419, %dma_wait3A_428, %dma_wait3A_429] : memref<8x80x128xf32, #tpu.memory_space<vmem>> -> memref<1x80x128xf32, #tpu.memory_space<vmem>>
      %dma_wait3A_431 = tpu.memref_squeeze %dma_wait3A_430 : memref<1x80x128xf32, #tpu.memory_space<vmem>> -> memref<80x128xf32, #tpu.memory_space<vmem>>
      tpu.wait_dma2 semaphore(%arg16 : memref<!tpu.dma_semaphore, #tpu.memory_space<semaphore_mem>>) src(%dma_wait3A_431 : memref<80x128xf32, #tpu.memory_space<vmem>>) dst(%dma_wait3A_427 : memref<80x128xf32, #tpu.memory_space<hbm>>)
      %add3A_432 = arith.constant 1 : i32
      %add3A_433 = arith.addi %mul3A_392, %add3A_432 : i32
      %mul3A_434 = arith.constant 80 : i32
      %mul3A_435 = arith.muli %add3A_433, %mul3A_434 : i32
      %dma_start3A_436 = arith.constant 1 : i32
      %dma_start3A_437 = arith.constant 0 : i32
      %dma_start3A_438 = arith.constant 0 : i32
      %dma_start3A_439 = tpu.memref_slice %arg6[%dma_start3A_436, %dma_start3A_437, %dma_start3A_438] : memref<8x80x128xf32, #tpu.memory_space<vmem>> -> memref<1x80x128xf32, #tpu.memory_space<vmem>>
      %dma_start3A_440 = tpu.memref_squeeze %dma_start3A_439 : memref<1x80x128xf32, #tpu.memory_space<vmem>> -> memref<80x128xf32, #tpu.memory_space<vmem>>
      %dma_start3A_441 = tpu.memref_slice %arg5[%mul3A_435] : memref<6400xi32, #tpu.memory_space<vmem>> -> memref<80xi32, #tpu.memory_space<vmem>>
      %dma_start3A_442 = arith.constant 0 : i32
      %dma_start3A_443 = arith.constant 0 : i32
      %dma_start3A_444 = tpu.memref_slice %arg3[%dma_start3A_442, %dma_start3A_443] : memref<100000x128xf32, #tpu.memory_space<hbm>> -> memref<100000x128xf32, #tpu.memory_space<hbm>>
      tpu.enqueue_indirect_dma source(%dma_start3A_444 : memref<100000x128xf32, #tpu.memory_space<hbm>>) target(%dma_start3A_440 : memref<80x128xf32, #tpu.memory_space<vmem>>) offsets(%dma_start3A_441 : memref<80xi32, #tpu.memory_space<vmem>>) semaphore(%arg8 : memref<!tpu.dma_semaphore, #tpu.memory_space<semaphore_mem>>)
      %dma_wait3A_445 = arith.constant 2 : i32
      %dma_wait3A_446 = arith.constant 0 : i32
      %dma_wait3A_447 = arith.constant 0 : i32
      %dma_wait3A_448 = tpu.memref_slice %arg6[%dma_wait3A_445, %dma_wait3A_446, %dma_wait3A_447] : memref<8x80x128xf32, #tpu.memory_space<vmem>> -> memref<1x80x128xf32, #tpu.memory_space<vmem>>
      %dma_wait3A_449 = tpu.memref_squeeze %dma_wait3A_448 : memref<1x80x128xf32, #tpu.memory_space<vmem>> -> memref<80x128xf32, #tpu.memory_space<vmem>>
      %dma_wait3A_450 = arith.constant 0 : i32
      %dma_wait3A_451 = tpu.memref_slice %arg4[%mul3A_2, %dma_wait3A_450] : memref<204800x128xf32, #tpu.memory_space<hbm>> -> memref<80x128xf32, #tpu.memory_space<hbm>>
      %dma_wait3A_452 = arith.constant 0 : i32
      %dma_wait3A_453 = tpu.memref_slice %arg4[%mul3A_2, %dma_wait3A_452] : memref<204800x128xf32, #tpu.memory_space<hbm>> -> memref<80x128xf32, #tpu.memory_space<hbm>>
      %dma_wait3A_454 = arith.constant 0 : i32
      %dma_wait3A_455 = arith.constant 0 : i32
      %dma_wait3A_456 = tpu.memref_slice %arg6[%dma_wait3A_445, %dma_wait3A_454, %dma_wait3A_455] : memref<8x80x128xf32, #tpu.memory_space<vmem>> -> memref<1x80x128xf32, #tpu.memory_space<vmem>>
      %dma_wait3A_457 = tpu.memref_squeeze %dma_wait3A_456 : memref<1x80x128xf32, #tpu.memory_space<vmem>> -> memref<80x128xf32, #tpu.memory_space<vmem>>
      tpu.wait_dma2 semaphore(%arg17 : memref<!tpu.dma_semaphore, #tpu.memory_space<semaphore_mem>>) src(%dma_wait3A_457 : memref<80x128xf32, #tpu.memory_space<vmem>>) dst(%dma_wait3A_453 : memref<80x128xf32, #tpu.memory_space<hbm>>)
      %add3A_458 = arith.constant 2 : i32
      %add3A_459 = arith.addi %mul3A_392, %add3A_458 : i32
      %mul3A_460 = arith.constant 80 : i32
      %mul3A_461 = arith.muli %add3A_459, %mul3A_460 : i32
      %dma_start3A_462 = arith.constant 2 : i32
      %dma_start3A_463 = arith.constant 0 : i32
      %dma_start3A_464 = arith.constant 0 : i32
      %dma_start3A_465 = tpu.memref_slice %arg6[%dma_start3A_462, %dma_start3A_463, %dma_start3A_464] : memref<8x80x128xf32, #tpu.memory_space<vmem>> -> memref<1x80x128xf32, #tpu.memory_space<vmem>>
      %dma_start3A_466 = tpu.memref_squeeze %dma_start3A_465 : memref<1x80x128xf32, #tpu.memory_space<vmem>> -> memref<80x128xf32, #tpu.memory_space<vmem>>
      %dma_start3A_467 = tpu.memref_slice %arg5[%mul3A_461] : memref<6400xi32, #tpu.memory_space<vmem>> -> memref<80xi32, #tpu.memory_space<vmem>>
      %dma_start3A_468 = arith.constant 0 : i32
      %dma_start3A_469 = arith.constant 0 : i32
      %dma_start3A_470 = tpu.memref_slice %arg3[%dma_start3A_468, %dma_start3A_469] : memref<100000x128xf32, #tpu.memory_space<hbm>> -> memref<100000x128xf32, #tpu.memory_space<hbm>>
      tpu.enqueue_indirect_dma source(%dma_start3A_470 : memref<100000x128xf32, #tpu.memory_space<hbm>>) target(%dma_start3A_466 : memref<80x128xf32, #tpu.memory_space<vmem>>) offsets(%dma_start3A_467 : memref<80xi32, #tpu.memory_space<vmem>>) semaphore(%arg9 : memref<!tpu.dma_semaphore, #tpu.memory_space<semaphore_mem>>)
      %dma_wait3A_471 = arith.constant 3 : i32
      %dma_wait3A_472 = arith.constant 0 : i32
      %dma_wait3A_473 = arith.constant 0 : i32
      %dma_wait3A_474 = tpu.memref_slice %arg6[%dma_wait3A_471, %dma_wait3A_472, %dma_wait3A_473] : memref<8x80x128xf32, #tpu.memory_space<vmem>> -> memref<1x80x128xf32, #tpu.memory_space<vmem>>
      %dma_wait3A_475 = tpu.memref_squeeze %dma_wait3A_474 : memref<1x80x128xf32, #tpu.memory_space<vmem>> -> memref<80x128xf32, #tpu.memory_space<vmem>>
      %dma_wait3A_476 = arith.constant 0 : i32
      %dma_wait3A_477 = tpu.memref_slice %arg4[%mul3A_2, %dma_wait3A_476] : memref<204800x128xf32, #tpu.memory_space<hbm>> -> memref<80x128xf32, #tpu.memory_space<hbm>>
      %dma_wait3A_478 = arith.constant 0 : i32
      %dma_wait3A_479 = tpu.memref_slice %arg4[%mul3A_2, %dma_wait3A_478] : memref<204800x128xf32, #tpu.memory_space<hbm>> -> memref<80x128xf32, #tpu.memory_space<hbm>>
      %dma_wait3A_480 = arith.constant 0 : i32
      %dma_wait3A_481 = arith.constant 0 : i32
      %dma_wait3A_482 = tpu.memref_slice %arg6[%dma_wait3A_471, %dma_wait3A_480, %dma_wait3A_481] : memref<8x80x128xf32, #tpu.memory_space<vmem>> -> memref<1x80x128xf32, #tpu.memory_space<vmem>>
      %dma_wait3A_483 = tpu.memref_squeeze %dma_wait3A_482 : memref<1x80x128xf32, #tpu.memory_space<vmem>> -> memref<80x128xf32, #tpu.memory_space<vmem>>
      tpu.wait_dma2 semaphore(%arg18 : memref<!tpu.dma_semaphore, #tpu.memory_space<semaphore_mem>>) src(%dma_wait3A_483 : memref<80x128xf32, #tpu.memory_space<vmem>>) dst(%dma_wait3A_479 : memref<80x128xf32, #tpu.memory_space<hbm>>)
      %add3A_484 = arith.constant 3 : i32
      %add3A_485 = arith.addi %mul3A_392, %add3A_484 : i32
      %mul3A_486 = arith.constant 80 : i32
      %mul3A_487 = arith.muli %add3A_485, %mul3A_486 : i32
      %dma_start3A_488 = arith.constant 3 : i32
      %dma_start3A_489 = arith.constant 0 : i32
      %dma_start3A_490 = arith.constant 0 : i32
      %dma_start3A_491 = tpu.memref_slice %arg6[%dma_start3A_488, %dma_start3A_489, %dma_start3A_490] : memref<8x80x128xf32, #tpu.memory_space<vmem>> -> memref<1x80x128xf32, #tpu.memory_space<vmem>>
      %dma_start3A_492 = tpu.memref_squeeze %dma_start3A_491 : memref<1x80x128xf32, #tpu.memory_space<vmem>> -> memref<80x128xf32, #tpu.memory_space<vmem>>
      %dma_start3A_493 = tpu.memref_slice %arg5[%mul3A_487] : memref<6400xi32, #tpu.memory_space<vmem>> -> memref<80xi32, #tpu.memory_space<vmem>>
      %dma_start3A_494 = arith.constant 0 : i32
      %dma_start3A_495 = arith.constant 0 : i32
      %dma_start3A_496 = tpu.memref_slice %arg3[%dma_start3A_494, %dma_start3A_495] : memref<100000x128xf32, #tpu.memory_space<hbm>> -> memref<100000x128xf32, #tpu.memory_space<hbm>>
      tpu.enqueue_indirect_dma source(%dma_start3A_496 : memref<100000x128xf32, #tpu.memory_space<hbm>>) target(%dma_start3A_492 : memref<80x128xf32, #tpu.memory_space<vmem>>) offsets(%dma_start3A_493 : memref<80xi32, #tpu.memory_space<vmem>>) semaphore(%arg10 : memref<!tpu.dma_semaphore, #tpu.memory_space<semaphore_mem>>)
      %dma_wait3A_497 = arith.constant 4 : i32
      %dma_wait3A_498 = arith.constant 0 : i32
      %dma_wait3A_499 = arith.constant 0 : i32
      %dma_wait3A_500 = tpu.memref_slice %arg6[%dma_wait3A_497, %dma_wait3A_498, %dma_wait3A_499] : memref<8x80x128xf32, #tpu.memory_space<vmem>> -> memref<1x80x128xf32, #tpu.memory_space<vmem>>
      %dma_wait3A_501 = tpu.memref_squeeze %dma_wait3A_500 : memref<1x80x128xf32, #tpu.memory_space<vmem>> -> memref<80x128xf32, #tpu.memory_space<vmem>>
      %dma_wait3A_502 = arith.constant 0 : i32
      %dma_wait3A_503 = tpu.memref_slice %arg4[%mul3A_2, %dma_wait3A_502] : memref<204800x128xf32, #tpu.memory_space<hbm>> -> memref<80x128xf32, #tpu.memory_space<hbm>>
      %dma_wait3A_504 = arith.constant 0 : i32
      %dma_wait3A_505 = tpu.memref_slice %arg4[%mul3A_2, %dma_wait3A_504] : memref<204800x128xf32, #tpu.memory_space<hbm>> -> memref<80x128xf32, #tpu.memory_space<hbm>>
      %dma_wait3A_506 = arith.constant 0 : i32
      %dma_wait3A_507 = arith.constant 0 : i32
      %dma_wait3A_508 = tpu.memref_slice %arg6[%dma_wait3A_497, %dma_wait3A_506, %dma_wait3A_507] : memref<8x80x128xf32, #tpu.memory_space<vmem>> -> memref<1x80x128xf32, #tpu.memory_space<vmem>>
      %dma_wait3A_509 = tpu.memref_squeeze %dma_wait3A_508 : memref<1x80x128xf32, #tpu.memory_space<vmem>> -> memref<80x128xf32, #tpu.memory_space<vmem>>
      tpu.wait_dma2 semaphore(%arg19 : memref<!tpu.dma_semaphore, #tpu.memory_space<semaphore_mem>>) src(%dma_wait3A_509 : memref<80x128xf32, #tpu.memory_space<vmem>>) dst(%dma_wait3A_505 : memref<80x128xf32, #tpu.memory_space<hbm>>)
      %add3A_510 = arith.constant 4 : i32
      %add3A_511 = arith.addi %mul3A_392, %add3A_510 : i32
      %mul3A_512 = arith.constant 80 : i32
      %mul3A_513 = arith.muli %add3A_511, %mul3A_512 : i32
      %dma_start3A_514 = arith.constant 4 : i32
      %dma_start3A_515 = arith.constant 0 : i32
      %dma_start3A_516 = arith.constant 0 : i32
      %dma_start3A_517 = tpu.memref_slice %arg6[%dma_start3A_514, %dma_start3A_515, %dma_start3A_516] : memref<8x80x128xf32, #tpu.memory_space<vmem>> -> memref<1x80x128xf32, #tpu.memory_space<vmem>>
      %dma_start3A_518 = tpu.memref_squeeze %dma_start3A_517 : memref<1x80x128xf32, #tpu.memory_space<vmem>> -> memref<80x128xf32, #tpu.memory_space<vmem>>
      %dma_start3A_519 = tpu.memref_slice %arg5[%mul3A_513] : memref<6400xi32, #tpu.memory_space<vmem>> -> memref<80xi32, #tpu.memory_space<vmem>>
      %dma_start3A_520 = arith.constant 0 : i32
      %dma_start3A_521 = arith.constant 0 : i32
      %dma_start3A_522 = tpu.memref_slice %arg3[%dma_start3A_520, %dma_start3A_521] : memref<100000x128xf32, #tpu.memory_space<hbm>> -> memref<100000x128xf32, #tpu.memory_space<hbm>>
      tpu.enqueue_indirect_dma source(%dma_start3A_522 : memref<100000x128xf32, #tpu.memory_space<hbm>>) target(%dma_start3A_518 : memref<80x128xf32, #tpu.memory_space<vmem>>) offsets(%dma_start3A_519 : memref<80xi32, #tpu.memory_space<vmem>>) semaphore(%arg11 : memref<!tpu.dma_semaphore, #tpu.memory_space<semaphore_mem>>)
      %dma_wait3A_523 = arith.constant 5 : i32
      %dma_wait3A_524 = arith.constant 0 : i32
      %dma_wait3A_525 = arith.constant 0 : i32
      %dma_wait3A_526 = tpu.memref_slice %arg6[%dma_wait3A_523, %dma_wait3A_524, %dma_wait3A_525] : memref<8x80x128xf32, #tpu.memory_space<vmem>> -> memref<1x80x128xf32, #tpu.memory_space<vmem>>
      %dma_wait3A_527 = tpu.memref_squeeze %dma_wait3A_526 : memref<1x80x128xf32, #tpu.memory_space<vmem>> -> memref<80x128xf32, #tpu.memory_space<vmem>>
      %dma_wait3A_528 = arith.constant 0 : i32
      %dma_wait3A_529 = tpu.memref_slice %arg4[%mul3A_2, %dma_wait3A_528] : memref<204800x128xf32, #tpu.memory_space<hbm>> -> memref<80x128xf32, #tpu.memory_space<hbm>>
      %dma_wait3A_530 = arith.constant 0 : i32
      %dma_wait3A_531 = tpu.memref_slice %arg4[%mul3A_2, %dma_wait3A_530] : memref<204800x128xf32, #tpu.memory_space<hbm>> -> memref<80x128xf32, #tpu.memory_space<hbm>>
      %dma_wait3A_532 = arith.constant 0 : i32
      %dma_wait3A_533 = arith.constant 0 : i32
      %dma_wait3A_534 = tpu.memref_slice %arg6[%dma_wait3A_523, %dma_wait3A_532, %dma_wait3A_533] : memref<8x80x128xf32, #tpu.memory_space<vmem>> -> memref<1x80x128xf32, #tpu.memory_space<vmem>>
      %dma_wait3A_535 = tpu.memref_squeeze %dma_wait3A_534 : memref<1x80x128xf32, #tpu.memory_space<vmem>> -> memref<80x128xf32, #tpu.memory_space<vmem>>
      tpu.wait_dma2 semaphore(%arg20 : memref<!tpu.dma_semaphore, #tpu.memory_space<semaphore_mem>>) src(%dma_wait3A_535 : memref<80x128xf32, #tpu.memory_space<vmem>>) dst(%dma_wait3A_531 : memref<80x128xf32, #tpu.memory_space<hbm>>)
      %add3A_536 = arith.constant 5 : i32
      %add3A_537 = arith.addi %mul3A_392, %add3A_536 : i32
      %mul3A_538 = arith.constant 80 : i32
      %mul3A_539 = arith.muli %add3A_537, %mul3A_538 : i32
      %dma_start3A_540 = arith.constant 5 : i32
      %dma_start3A_541 = arith.constant 0 : i32
      %dma_start3A_542 = arith.constant 0 : i32
      %dma_start3A_543 = tpu.memref_slice %arg6[%dma_start3A_540, %dma_start3A_541, %dma_start3A_542] : memref<8x80x128xf32, #tpu.memory_space<vmem>> -> memref<1x80x128xf32, #tpu.memory_space<vmem>>
      %dma_start3A_544 = tpu.memref_squeeze %dma_start3A_543 : memref<1x80x128xf32, #tpu.memory_space<vmem>> -> memref<80x128xf32, #tpu.memory_space<vmem>>
      %dma_start3A_545 = tpu.memref_slice %arg5[%mul3A_539] : memref<6400xi32, #tpu.memory_space<vmem>> -> memref<80xi32, #tpu.memory_space<vmem>>
      %dma_start3A_546 = arith.constant 0 : i32
      %dma_start3A_547 = arith.constant 0 : i32
      %dma_start3A_548 = tpu.memref_slice %arg3[%dma_start3A_546, %dma_start3A_547] : memref<100000x128xf32, #tpu.memory_space<hbm>> -> memref<100000x128xf32, #tpu.memory_space<hbm>>
      tpu.enqueue_indirect_dma source(%dma_start3A_548 : memref<100000x128xf32, #tpu.memory_space<hbm>>) target(%dma_start3A_544 : memref<80x128xf32, #tpu.memory_space<vmem>>) offsets(%dma_start3A_545 : memref<80xi32, #tpu.memory_space<vmem>>) semaphore(%arg12 : memref<!tpu.dma_semaphore, #tpu.memory_space<semaphore_mem>>)
      %dma_wait3A_549 = arith.constant 6 : i32
      %dma_wait3A_550 = arith.constant 0 : i32
      %dma_wait3A_551 = arith.constant 0 : i32
      %dma_wait3A_552 = tpu.memref_slice %arg6[%dma_wait3A_549, %dma_wait3A_550, %dma_wait3A_551] : memref<8x80x128xf32, #tpu.memory_space<vmem>> -> memref<1x80x128xf32, #tpu.memory_space<vmem>>
      %dma_wait3A_553 = tpu.memref_squeeze %dma_wait3A_552 : memref<1x80x128xf32, #tpu.memory_space<vmem>> -> memref<80x128xf32, #tpu.memory_space<vmem>>
      %dma_wait3A_554 = arith.constant 0 : i32
      %dma_wait3A_555 = tpu.memref_slice %arg4[%mul3A_2, %dma_wait3A_554] : memref<204800x128xf32, #tpu.memory_space<hbm>> -> memref<80x128xf32, #tpu.memory_space<hbm>>
      %dma_wait3A_556 = arith.constant 0 : i32
      %dma_wait3A_557 = tpu.memref_slice %arg4[%mul3A_2, %dma_wait3A_556] : memref<204800x128xf32, #tpu.memory_space<hbm>> -> memref<80x128xf32, #tpu.memory_space<hbm>>
      %dma_wait3A_558 = arith.constant 0 : i32
      %dma_wait3A_559 = arith.constant 0 : i32
      %dma_wait3A_560 = tpu.memref_slice %arg6[%dma_wait3A_549, %dma_wait3A_558, %dma_wait3A_559] : memref<8x80x128xf32, #tpu.memory_space<vmem>> -> memref<1x80x128xf32, #tpu.memory_space<vmem>>
      %dma_wait3A_561 = tpu.memref_squeeze %dma_wait3A_560 : memref<1x80x128xf32, #tpu.memory_space<vmem>> -> memref<80x128xf32, #tpu.memory_space<vmem>>
      tpu.wait_dma2 semaphore(%arg21 : memref<!tpu.dma_semaphore, #tpu.memory_space<semaphore_mem>>) src(%dma_wait3A_561 : memref<80x128xf32, #tpu.memory_space<vmem>>) dst(%dma_wait3A_557 : memref<80x128xf32, #tpu.memory_space<hbm>>)
      %add3A_562 = arith.constant 6 : i32
      %add3A_563 = arith.addi %mul3A_392, %add3A_562 : i32
      %mul3A_564 = arith.constant 80 : i32
      %mul3A_565 = arith.muli %add3A_563, %mul3A_564 : i32
      %dma_start3A_566 = arith.constant 6 : i32
      %dma_start3A_567 = arith.constant 0 : i32
      %dma_start3A_568 = arith.constant 0 : i32
      %dma_start3A_569 = tpu.memref_slice %arg6[%dma_start3A_566, %dma_start3A_567, %dma_start3A_568] : memref<8x80x128xf32, #tpu.memory_space<vmem>> -> memref<1x80x128xf32, #tpu.memory_space<vmem>>
      %dma_start3A_570 = tpu.memref_squeeze %dma_start3A_569 : memref<1x80x128xf32, #tpu.memory_space<vmem>> -> memref<80x128xf32, #tpu.memory_space<vmem>>
      %dma_start3A_571 = tpu.memref_slice %arg5[%mul3A_565] : memref<6400xi32, #tpu.memory_space<vmem>> -> memref<80xi32, #tpu.memory_space<vmem>>
      %dma_start3A_572 = arith.constant 0 : i32
      %dma_start3A_573 = arith.constant 0 : i32
      %dma_start3A_574 = tpu.memref_slice %arg3[%dma_start3A_572, %dma_start3A_573] : memref<100000x128xf32, #tpu.memory_space<hbm>> -> memref<100000x128xf32, #tpu.memory_space<hbm>>
      tpu.enqueue_indirect_dma source(%dma_start3A_574 : memref<100000x128xf32, #tpu.memory_space<hbm>>) target(%dma_start3A_570 : memref<80x128xf32, #tpu.memory_space<vmem>>) offsets(%dma_start3A_571 : memref<80xi32, #tpu.memory_space<vmem>>) semaphore(%arg13 : memref<!tpu.dma_semaphore, #tpu.memory_space<semaphore_mem>>)
      %dma_wait3A_575 = arith.constant 7 : i32
      %dma_wait3A_576 = arith.constant 0 : i32
      %dma_wait3A_577 = arith.constant 0 : i32
      %dma_wait3A_578 = tpu.memref_slice %arg6[%dma_wait3A_575, %dma_wait3A_576, %dma_wait3A_577] : memref<8x80x128xf32, #tpu.memory_space<vmem>> -> memref<1x80x128xf32, #tpu.memory_space<vmem>>
      %dma_wait3A_579 = tpu.memref_squeeze %dma_wait3A_578 : memref<1x80x128xf32, #tpu.memory_space<vmem>> -> memref<80x128xf32, #tpu.memory_space<vmem>>
      %dma_wait3A_580 = arith.constant 0 : i32
      %dma_wait3A_581 = tpu.memref_slice %arg4[%mul3A_2, %dma_wait3A_580] : memref<204800x128xf32, #tpu.memory_space<hbm>> -> memref<80x128xf32, #tpu.memory_space<hbm>>
      %dma_wait3A_582 = arith.constant 0 : i32
      %dma_wait3A_583 = tpu.memref_slice %arg4[%mul3A_2, %dma_wait3A_582] : memref<204800x128xf32, #tpu.memory_space<hbm>> -> memref<80x128xf32, #tpu.memory_space<hbm>>
      %dma_wait3A_584 = arith.constant 0 : i32
      %dma_wait3A_585 = arith.constant 0 : i32
      %dma_wait3A_586 = tpu.memref_slice %arg6[%dma_wait3A_575, %dma_wait3A_584, %dma_wait3A_585] : memref<8x80x128xf32, #tpu.memory_space<vmem>> -> memref<1x80x128xf32, #tpu.memory_space<vmem>>
      %dma_wait3A_587 = tpu.memref_squeeze %dma_wait3A_586 : memref<1x80x128xf32, #tpu.memory_space<vmem>> -> memref<80x128xf32, #tpu.memory_space<vmem>>
      tpu.wait_dma2 semaphore(%arg22 : memref<!tpu.dma_semaphore, #tpu.memory_space<semaphore_mem>>) src(%dma_wait3A_587 : memref<80x128xf32, #tpu.memory_space<vmem>>) dst(%dma_wait3A_583 : memref<80x128xf32, #tpu.memory_space<hbm>>)
      %add3A_588 = arith.constant 7 : i32
      %add3A_589 = arith.addi %mul3A_392, %add3A_588 : i32
      %mul3A_590 = arith.constant 80 : i32
      %mul3A_591 = arith.muli %add3A_589, %mul3A_590 : i32
      %dma_start3A_592 = arith.constant 7 : i32
      %dma_start3A_593 = arith.constant 0 : i32
      %dma_start3A_594 = arith.constant 0 : i32
      %dma_start3A_595 = tpu.memref_slice %arg6[%dma_start3A_592, %dma_start3A_593, %dma_start3A_594] : memref<8x80x128xf32, #tpu.memory_space<vmem>> -> memref<1x80x128xf32, #tpu.memory_space<vmem>>
      %dma_start3A_596 = tpu.memref_squeeze %dma_start3A_595 : memref<1x80x128xf32, #tpu.memory_space<vmem>> -> memref<80x128xf32, #tpu.memory_space<vmem>>
      %dma_start3A_597 = tpu.memref_slice %arg5[%mul3A_591] : memref<6400xi32, #tpu.memory_space<vmem>> -> memref<80xi32, #tpu.memory_space<vmem>>
      %dma_start3A_598 = arith.constant 0 : i32
      %dma_start3A_599 = arith.constant 0 : i32
      %dma_start3A_600 = tpu.memref_slice %arg3[%dma_start3A_598, %dma_start3A_599] : memref<100000x128xf32, #tpu.memory_space<hbm>> -> memref<100000x128xf32, #tpu.memory_space<hbm>>
      tpu.enqueue_indirect_dma source(%dma_start3A_600 : memref<100000x128xf32, #tpu.memory_space<hbm>>) target(%dma_start3A_596 : memref<80x128xf32, #tpu.memory_space<vmem>>) offsets(%dma_start3A_597 : memref<80xi32, #tpu.memory_space<vmem>>) semaphore(%arg14 : memref<!tpu.dma_semaphore, #tpu.memory_space<semaphore_mem>>)
      %dma_wait3A_601 = arith.constant 0 : i32
      %dma_wait3A_602 = arith.constant 0 : i32
      %dma_wait3A_603 = arith.constant 0 : i32
      %dma_wait3A_604 = tpu.memref_slice %arg6[%dma_wait3A_601, %dma_wait3A_602, %dma_wait3A_603] : memref<8x80x128xf32, #tpu.memory_space<vmem>> -> memref<1x80x128xf32, #tpu.memory_space<vmem>>
      %dma_wait3A_605 = tpu.memref_squeeze %dma_wait3A_604 : memref<1x80x128xf32, #tpu.memory_space<vmem>> -> memref<80x128xf32, #tpu.memory_space<vmem>>
      %dma_wait3A_606 = tpu.memref_slice %arg5[%mul3A_409] : memref<6400xi32, #tpu.memory_space<vmem>> -> memref<80xi32, #tpu.memory_space<vmem>>
      %dma_wait3A_607 = arith.constant 0 : i32
      %dma_wait3A_608 = arith.constant 0 : i32
      %dma_wait3A_609 = tpu.memref_slice %arg3[%dma_wait3A_607, %dma_wait3A_608] : memref<100000x128xf32, #tpu.memory_space<hbm>> -> memref<100000x128xf32, #tpu.memory_space<hbm>>
      tpu.wait_indirect_dma semaphore(%arg7 : memref<!tpu.dma_semaphore, #tpu.memory_space<semaphore_mem>>) src(%dma_wait3A_609 : memref<100000x128xf32, #tpu.memory_space<hbm>>) dst(%dma_wait3A_605 : memref<80x128xf32, #tpu.memory_space<vmem>>)
      %add3A_610 = arith.constant 0 : i32
      %add3A_611 = arith.addi %mul3A_392, %add3A_610 : i32
      %mul3A_612 = arith.constant 80 : i32
      %mul3A_613 = arith.muli %add3A_611, %mul3A_612 : i32
      %add3A_614 = arith.addi %mul3A_2, %mul3A_613 : i32
      %dma_start3A_615 = arith.constant 0 : i32
      %dma_start3A_616 = arith.constant 0 : i32
      %dma_start3A_617 = arith.constant 0 : i32
      %dma_start3A_618 = tpu.memref_slice %arg6[%dma_start3A_615, %dma_start3A_616, %dma_start3A_617] : memref<8x80x128xf32, #tpu.memory_space<vmem>> -> memref<1x80x128xf32, #tpu.memory_space<vmem>>
      %dma_start3A_619 = tpu.memref_squeeze %dma_start3A_618 : memref<1x80x128xf32, #tpu.memory_space<vmem>> -> memref<80x128xf32, #tpu.memory_space<vmem>>
      %dma_start3A_620 = arith.constant 0 : i32
      %dma_start3A_621 = tpu.memref_slice %arg4[%add3A_614, %dma_start3A_620] : memref<204800x128xf32, #tpu.memory_space<hbm>> -> memref<80x128xf32, #tpu.memory_space<hbm>>
      %dma_start3A_622 = arith.constant 0 : i32
      %dma_start3A_623 = tpu.memref_slice %arg4[%add3A_614, %dma_start3A_622] : memref<204800x128xf32, #tpu.memory_space<hbm>> -> memref<80x128xf32, #tpu.memory_space<hbm>>
      %dma_start3A_624 = arith.constant 0 : i32
      %dma_start3A_625 = arith.constant 0 : i32
      %dma_start3A_626 = tpu.memref_slice %arg6[%dma_start3A_615, %dma_start3A_624, %dma_start3A_625] : memref<8x80x128xf32, #tpu.memory_space<vmem>> -> memref<1x80x128xf32, #tpu.memory_space<vmem>>
      %dma_start3A_627 = tpu.memref_squeeze %dma_start3A_626 : memref<1x80x128xf32, #tpu.memory_space<vmem>> -> memref<80x128xf32, #tpu.memory_space<vmem>>
      tpu.enqueue_dma source(%dma_start3A_627 : memref<80x128xf32, #tpu.memory_space<vmem>>) target(%dma_start3A_623 : memref<80x128xf32, #tpu.memory_space<hbm>>) target_semaphore(%arg15 : memref<!tpu.dma_semaphore, #tpu.memory_space<semaphore_mem>>)
      %dma_wait3A_628 = arith.constant 1 : i32
      %dma_wait3A_629 = arith.constant 0 : i32
      %dma_wait3A_630 = arith.constant 0 : i32
      %dma_wait3A_631 = tpu.memref_slice %arg6[%dma_wait3A_628, %dma_wait3A_629, %dma_wait3A_630] : memref<8x80x128xf32, #tpu.memory_space<vmem>> -> memref<1x80x128xf32, #tpu.memory_space<vmem>>
      %dma_wait3A_632 = tpu.memref_squeeze %dma_wait3A_631 : memref<1x80x128xf32, #tpu.memory_space<vmem>> -> memref<80x128xf32, #tpu.memory_space<vmem>>
      %dma_wait3A_633 = tpu.memref_slice %arg5[%mul3A_435] : memref<6400xi32, #tpu.memory_space<vmem>> -> memref<80xi32, #tpu.memory_space<vmem>>
      %dma_wait3A_634 = arith.constant 0 : i32
      %dma_wait3A_635 = arith.constant 0 : i32
      %dma_wait3A_636 = tpu.memref_slice %arg3[%dma_wait3A_634, %dma_wait3A_635] : memref<100000x128xf32, #tpu.memory_space<hbm>> -> memref<100000x128xf32, #tpu.memory_space<hbm>>
      tpu.wait_indirect_dma semaphore(%arg8 : memref<!tpu.dma_semaphore, #tpu.memory_space<semaphore_mem>>) src(%dma_wait3A_636 : memref<100000x128xf32, #tpu.memory_space<hbm>>) dst(%dma_wait3A_632 : memref<80x128xf32, #tpu.memory_space<vmem>>)
      %add3A_637 = arith.constant 1 : i32
      %add3A_638 = arith.addi %mul3A_392, %add3A_637 : i32
      %mul3A_639 = arith.constant 80 : i32
      %mul3A_640 = arith.muli %add3A_638, %mul3A_639 : i32
      %add3A_641 = arith.addi %mul3A_2, %mul3A_640 : i32
      %dma_start3A_642 = arith.constant 1 : i32
      %dma_start3A_643 = arith.constant 0 : i32
      %dma_start3A_644 = arith.constant 0 : i32
      %dma_start3A_645 = tpu.memref_slice %arg6[%dma_start3A_642, %dma_start3A_643, %dma_start3A_644] : memref<8x80x128xf32, #tpu.memory_space<vmem>> -> memref<1x80x128xf32, #tpu.memory_space<vmem>>
      %dma_start3A_646 = tpu.memref_squeeze %dma_start3A_645 : memref<1x80x128xf32, #tpu.memory_space<vmem>> -> memref<80x128xf32, #tpu.memory_space<vmem>>
      %dma_start3A_647 = arith.constant 0 : i32
      %dma_start3A_648 = tpu.memref_slice %arg4[%add3A_641, %dma_start3A_647] : memref<204800x128xf32, #tpu.memory_space<hbm>> -> memref<80x128xf32, #tpu.memory_space<hbm>>
      %dma_start3A_649 = arith.constant 0 : i32
      %dma_start3A_650 = tpu.memref_slice %arg4[%add3A_641, %dma_start3A_649] : memref<204800x128xf32, #tpu.memory_space<hbm>> -> memref<80x128xf32, #tpu.memory_space<hbm>>
      %dma_start3A_651 = arith.constant 0 : i32
      %dma_start3A_652 = arith.constant 0 : i32
      %dma_start3A_653 = tpu.memref_slice %arg6[%dma_start3A_642, %dma_start3A_651, %dma_start3A_652] : memref<8x80x128xf32, #tpu.memory_space<vmem>> -> memref<1x80x128xf32, #tpu.memory_space<vmem>>
      %dma_start3A_654 = tpu.memref_squeeze %dma_start3A_653 : memref<1x80x128xf32, #tpu.memory_space<vmem>> -> memref<80x128xf32, #tpu.memory_space<vmem>>
      tpu.enqueue_dma source(%dma_start3A_654 : memref<80x128xf32, #tpu.memory_space<vmem>>) target(%dma_start3A_650 : memref<80x128xf32, #tpu.memory_space<hbm>>) target_semaphore(%arg16 : memref<!tpu.dma_semaphore, #tpu.memory_space<semaphore_mem>>)
      %dma_wait3A_655 = arith.constant 2 : i32
      %dma_wait3A_656 = arith.constant 0 : i32
      %dma_wait3A_657 = arith.constant 0 : i32
      %dma_wait3A_658 = tpu.memref_slice %arg6[%dma_wait3A_655, %dma_wait3A_656, %dma_wait3A_657] : memref<8x80x128xf32, #tpu.memory_space<vmem>> -> memref<1x80x128xf32, #tpu.memory_space<vmem>>
      %dma_wait3A_659 = tpu.memref_squeeze %dma_wait3A_658 : memref<1x80x128xf32, #tpu.memory_space<vmem>> -> memref<80x128xf32, #tpu.memory_space<vmem>>
      %dma_wait3A_660 = tpu.memref_slice %arg5[%mul3A_461] : memref<6400xi32, #tpu.memory_space<vmem>> -> memref<80xi32, #tpu.memory_space<vmem>>
      %dma_wait3A_661 = arith.constant 0 : i32
      %dma_wait3A_662 = arith.constant 0 : i32
      %dma_wait3A_663 = tpu.memref_slice %arg3[%dma_wait3A_661, %dma_wait3A_662] : memref<100000x128xf32, #tpu.memory_space<hbm>> -> memref<100000x128xf32, #tpu.memory_space<hbm>>
      tpu.wait_indirect_dma semaphore(%arg9 : memref<!tpu.dma_semaphore, #tpu.memory_space<semaphore_mem>>) src(%dma_wait3A_663 : memref<100000x128xf32, #tpu.memory_space<hbm>>) dst(%dma_wait3A_659 : memref<80x128xf32, #tpu.memory_space<vmem>>)
      %add3A_664 = arith.constant 2 : i32
      %add3A_665 = arith.addi %mul3A_392, %add3A_664 : i32
      %mul3A_666 = arith.constant 80 : i32
      %mul3A_667 = arith.muli %add3A_665, %mul3A_666 : i32
      %add3A_668 = arith.addi %mul3A_2, %mul3A_667 : i32
      %dma_start3A_669 = arith.constant 2 : i32
      %dma_start3A_670 = arith.constant 0 : i32
      %dma_start3A_671 = arith.constant 0 : i32
      %dma_start3A_672 = tpu.memref_slice %arg6[%dma_start3A_669, %dma_start3A_670, %dma_start3A_671] : memref<8x80x128xf32, #tpu.memory_space<vmem>> -> memref<1x80x128xf32, #tpu.memory_space<vmem>>
      %dma_start3A_673 = tpu.memref_squeeze %dma_start3A_672 : memref<1x80x128xf32, #tpu.memory_space<vmem>> -> memref<80x128xf32, #tpu.memory_space<vmem>>
      %dma_start3A_674 = arith.constant 0 : i32
      %dma_start3A_675 = tpu.memref_slice %arg4[%add3A_668, %dma_start3A_674] : memref<204800x128xf32, #tpu.memory_space<hbm>> -> memref<80x128xf32, #tpu.memory_space<hbm>>
      %dma_start3A_676 = arith.constant 0 : i32
      %dma_start3A_677 = tpu.memref_slice %arg4[%add3A_668, %dma_start3A_676] : memref<204800x128xf32, #tpu.memory_space<hbm>> -> memref<80x128xf32, #tpu.memory_space<hbm>>
      %dma_start3A_678 = arith.constant 0 : i32
      %dma_start3A_679 = arith.constant 0 : i32
      %dma_start3A_680 = tpu.memref_slice %arg6[%dma_start3A_669, %dma_start3A_678, %dma_start3A_679] : memref<8x80x128xf32, #tpu.memory_space<vmem>> -> memref<1x80x128xf32, #tpu.memory_space<vmem>>
      %dma_start3A_681 = tpu.memref_squeeze %dma_start3A_680 : memref<1x80x128xf32, #tpu.memory_space<vmem>> -> memref<80x128xf32, #tpu.memory_space<vmem>>
      tpu.enqueue_dma source(%dma_start3A_681 : memref<80x128xf32, #tpu.memory_space<vmem>>) target(%dma_start3A_677 : memref<80x128xf32, #tpu.memory_space<hbm>>) target_semaphore(%arg17 : memref<!tpu.dma_semaphore, #tpu.memory_space<semaphore_mem>>)
      %dma_wait3A_682 = arith.constant 3 : i32
      %dma_wait3A_683 = arith.constant 0 : i32
      %dma_wait3A_684 = arith.constant 0 : i32
      %dma_wait3A_685 = tpu.memref_slice %arg6[%dma_wait3A_682, %dma_wait3A_683, %dma_wait3A_684] : memref<8x80x128xf32, #tpu.memory_space<vmem>> -> memref<1x80x128xf32, #tpu.memory_space<vmem>>
      %dma_wait3A_686 = tpu.memref_squeeze %dma_wait3A_685 : memref<1x80x128xf32, #tpu.memory_space<vmem>> -> memref<80x128xf32, #tpu.memory_space<vmem>>
      %dma_wait3A_687 = tpu.memref_slice %arg5[%mul3A_487] : memref<6400xi32, #tpu.memory_space<vmem>> -> memref<80xi32, #tpu.memory_space<vmem>>
      %dma_wait3A_688 = arith.constant 0 : i32
      %dma_wait3A_689 = arith.constant 0 : i32
      %dma_wait3A_690 = tpu.memref_slice %arg3[%dma_wait3A_688, %dma_wait3A_689] : memref<100000x128xf32, #tpu.memory_space<hbm>> -> memref<100000x128xf32, #tpu.memory_space<hbm>>
      tpu.wait_indirect_dma semaphore(%arg10 : memref<!tpu.dma_semaphore, #tpu.memory_space<semaphore_mem>>) src(%dma_wait3A_690 : memref<100000x128xf32, #tpu.memory_space<hbm>>) dst(%dma_wait3A_686 : memref<80x128xf32, #tpu.memory_space<vmem>>)
      %add3A_691 = arith.constant 3 : i32
      %add3A_692 = arith.addi %mul3A_392, %add3A_691 : i32
      %mul3A_693 = arith.constant 80 : i32
      %mul3A_694 = arith.muli %add3A_692, %mul3A_693 : i32
      %add3A_695 = arith.addi %mul3A_2, %mul3A_694 : i32
      %dma_start3A_696 = arith.constant 3 : i32
      %dma_start3A_697 = arith.constant 0 : i32
      %dma_start3A_698 = arith.constant 0 : i32
      %dma_start3A_699 = tpu.memref_slice %arg6[%dma_start3A_696, %dma_start3A_697, %dma_start3A_698] : memref<8x80x128xf32, #tpu.memory_space<vmem>> -> memref<1x80x128xf32, #tpu.memory_space<vmem>>
      %dma_start3A_700 = tpu.memref_squeeze %dma_start3A_699 : memref<1x80x128xf32, #tpu.memory_space<vmem>> -> memref<80x128xf32, #tpu.memory_space<vmem>>
      %dma_start3A_701 = arith.constant 0 : i32
      %dma_start3A_702 = tpu.memref_slice %arg4[%add3A_695, %dma_start3A_701] : memref<204800x128xf32, #tpu.memory_space<hbm>> -> memref<80x128xf32, #tpu.memory_space<hbm>>
      %dma_start3A_703 = arith.constant 0 : i32
      %dma_start3A_704 = tpu.memref_slice %arg4[%add3A_695, %dma_start3A_703] : memref<204800x128xf32, #tpu.memory_space<hbm>> -> memref<80x128xf32, #tpu.memory_space<hbm>>
      %dma_start3A_705 = arith.constant 0 : i32
      %dma_start3A_706 = arith.constant 0 : i32
      %dma_start3A_707 = tpu.memref_slice %arg6[%dma_start3A_696, %dma_start3A_705, %dma_start3A_706] : memref<8x80x128xf32, #tpu.memory_space<vmem>> -> memref<1x80x128xf32, #tpu.memory_space<vmem>>
      %dma_start3A_708 = tpu.memref_squeeze %dma_start3A_707 : memref<1x80x128xf32, #tpu.memory_space<vmem>> -> memref<80x128xf32, #tpu.memory_space<vmem>>
      tpu.enqueue_dma source(%dma_start3A_708 : memref<80x128xf32, #tpu.memory_space<vmem>>) target(%dma_start3A_704 : memref<80x128xf32, #tpu.memory_space<hbm>>) target_semaphore(%arg18 : memref<!tpu.dma_semaphore, #tpu.memory_space<semaphore_mem>>)
      %dma_wait3A_709 = arith.constant 4 : i32
      %dma_wait3A_710 = arith.constant 0 : i32
      %dma_wait3A_711 = arith.constant 0 : i32
      %dma_wait3A_712 = tpu.memref_slice %arg6[%dma_wait3A_709, %dma_wait3A_710, %dma_wait3A_711] : memref<8x80x128xf32, #tpu.memory_space<vmem>> -> memref<1x80x128xf32, #tpu.memory_space<vmem>>
      %dma_wait3A_713 = tpu.memref_squeeze %dma_wait3A_712 : memref<1x80x128xf32, #tpu.memory_space<vmem>> -> memref<80x128xf32, #tpu.memory_space<vmem>>
      %dma_wait3A_714 = tpu.memref_slice %arg5[%mul3A_513] : memref<6400xi32, #tpu.memory_space<vmem>> -> memref<80xi32, #tpu.memory_space<vmem>>
      %dma_wait3A_715 = arith.constant 0 : i32
      %dma_wait3A_716 = arith.constant 0 : i32
      %dma_wait3A_717 = tpu.memref_slice %arg3[%dma_wait3A_715, %dma_wait3A_716] : memref<100000x128xf32, #tpu.memory_space<hbm>> -> memref<100000x128xf32, #tpu.memory_space<hbm>>
      tpu.wait_indirect_dma semaphore(%arg11 : memref<!tpu.dma_semaphore, #tpu.memory_space<semaphore_mem>>) src(%dma_wait3A_717 : memref<100000x128xf32, #tpu.memory_space<hbm>>) dst(%dma_wait3A_713 : memref<80x128xf32, #tpu.memory_space<vmem>>)
      %add3A_718 = arith.constant 4 : i32
      %add3A_719 = arith.addi %mul3A_392, %add3A_718 : i32
      %mul3A_720 = arith.constant 80 : i32
      %mul3A_721 = arith.muli %add3A_719, %mul3A_720 : i32
      %add3A_722 = arith.addi %mul3A_2, %mul3A_721 : i32
      %dma_start3A_723 = arith.constant 4 : i32
      %dma_start3A_724 = arith.constant 0 : i32
      %dma_start3A_725 = arith.constant 0 : i32
      %dma_start3A_726 = tpu.memref_slice %arg6[%dma_start3A_723, %dma_start3A_724, %dma_start3A_725] : memref<8x80x128xf32, #tpu.memory_space<vmem>> -> memref<1x80x128xf32, #tpu.memory_space<vmem>>
      %dma_start3A_727 = tpu.memref_squeeze %dma_start3A_726 : memref<1x80x128xf32, #tpu.memory_space<vmem>> -> memref<80x128xf32, #tpu.memory_space<vmem>>
      %dma_start3A_728 = arith.constant 0 : i32
      %dma_start3A_729 = tpu.memref_slice %arg4[%add3A_722, %dma_start3A_728] : memref<204800x128xf32, #tpu.memory_space<hbm>> -> memref<80x128xf32, #tpu.memory_space<hbm>>
      %dma_start3A_730 = arith.constant 0 : i32
      %dma_start3A_731 = tpu.memref_slice %arg4[%add3A_722, %dma_start3A_730] : memref<204800x128xf32, #tpu.memory_space<hbm>> -> memref<80x128xf32, #tpu.memory_space<hbm>>
      %dma_start3A_732 = arith.constant 0 : i32
      %dma_start3A_733 = arith.constant 0 : i32
      %dma_start3A_734 = tpu.memref_slice %arg6[%dma_start3A_723, %dma_start3A_732, %dma_start3A_733] : memref<8x80x128xf32, #tpu.memory_space<vmem>> -> memref<1x80x128xf32, #tpu.memory_space<vmem>>
      %dma_start3A_735 = tpu.memref_squeeze %dma_start3A_734 : memref<1x80x128xf32, #tpu.memory_space<vmem>> -> memref<80x128xf32, #tpu.memory_space<vmem>>
      tpu.enqueue_dma source(%dma_start3A_735 : memref<80x128xf32, #tpu.memory_space<vmem>>) target(%dma_start3A_731 : memref<80x128xf32, #tpu.memory_space<hbm>>) target_semaphore(%arg19 : memref<!tpu.dma_semaphore, #tpu.memory_space<semaphore_mem>>)
      %dma_wait3A_736 = arith.constant 5 : i32
      %dma_wait3A_737 = arith.constant 0 : i32
      %dma_wait3A_738 = arith.constant 0 : i32
      %dma_wait3A_739 = tpu.memref_slice %arg6[%dma_wait3A_736, %dma_wait3A_737, %dma_wait3A_738] : memref<8x80x128xf32, #tpu.memory_space<vmem>> -> memref<1x80x128xf32, #tpu.memory_space<vmem>>
      %dma_wait3A_740 = tpu.memref_squeeze %dma_wait3A_739 : memref<1x80x128xf32, #tpu.memory_space<vmem>> -> memref<80x128xf32, #tpu.memory_space<vmem>>
      %dma_wait3A_741 = tpu.memref_slice %arg5[%mul3A_539] : memref<6400xi32, #tpu.memory_space<vmem>> -> memref<80xi32, #tpu.memory_space<vmem>>
      %dma_wait3A_742 = arith.constant 0 : i32
      %dma_wait3A_743 = arith.constant 0 : i32
      %dma_wait3A_744 = tpu.memref_slice %arg3[%dma_wait3A_742, %dma_wait3A_743] : memref<100000x128xf32, #tpu.memory_space<hbm>> -> memref<100000x128xf32, #tpu.memory_space<hbm>>
      tpu.wait_indirect_dma semaphore(%arg12 : memref<!tpu.dma_semaphore, #tpu.memory_space<semaphore_mem>>) src(%dma_wait3A_744 : memref<100000x128xf32, #tpu.memory_space<hbm>>) dst(%dma_wait3A_740 : memref<80x128xf32, #tpu.memory_space<vmem>>)
      %add3A_745 = arith.constant 5 : i32
      %add3A_746 = arith.addi %mul3A_392, %add3A_745 : i32
      %mul3A_747 = arith.constant 80 : i32
      %mul3A_748 = arith.muli %add3A_746, %mul3A_747 : i32
      %add3A_749 = arith.addi %mul3A_2, %mul3A_748 : i32
      %dma_start3A_750 = arith.constant 5 : i32
      %dma_start3A_751 = arith.constant 0 : i32
      %dma_start3A_752 = arith.constant 0 : i32
      %dma_start3A_753 = tpu.memref_slice %arg6[%dma_start3A_750, %dma_start3A_751, %dma_start3A_752] : memref<8x80x128xf32, #tpu.memory_space<vmem>> -> memref<1x80x128xf32, #tpu.memory_space<vmem>>
      %dma_start3A_754 = tpu.memref_squeeze %dma_start3A_753 : memref<1x80x128xf32, #tpu.memory_space<vmem>> -> memref<80x128xf32, #tpu.memory_space<vmem>>
      %dma_start3A_755 = arith.constant 0 : i32
      %dma_start3A_756 = tpu.memref_slice %arg4[%add3A_749, %dma_start3A_755] : memref<204800x128xf32, #tpu.memory_space<hbm>> -> memref<80x128xf32, #tpu.memory_space<hbm>>
      %dma_start3A_757 = arith.constant 0 : i32
      %dma_start3A_758 = tpu.memref_slice %arg4[%add3A_749, %dma_start3A_757] : memref<204800x128xf32, #tpu.memory_space<hbm>> -> memref<80x128xf32, #tpu.memory_space<hbm>>
      %dma_start3A_759 = arith.constant 0 : i32
      %dma_start3A_760 = arith.constant 0 : i32
      %dma_start3A_761 = tpu.memref_slice %arg6[%dma_start3A_750, %dma_start3A_759, %dma_start3A_760] : memref<8x80x128xf32, #tpu.memory_space<vmem>> -> memref<1x80x128xf32, #tpu.memory_space<vmem>>
      %dma_start3A_762 = tpu.memref_squeeze %dma_start3A_761 : memref<1x80x128xf32, #tpu.memory_space<vmem>> -> memref<80x128xf32, #tpu.memory_space<vmem>>
      tpu.enqueue_dma source(%dma_start3A_762 : memref<80x128xf32, #tpu.memory_space<vmem>>) target(%dma_start3A_758 : memref<80x128xf32, #tpu.memory_space<hbm>>) target_semaphore(%arg20 : memref<!tpu.dma_semaphore, #tpu.memory_space<semaphore_mem>>)
      %dma_wait3A_763 = arith.constant 6 : i32
      %dma_wait3A_764 = arith.constant 0 : i32
      %dma_wait3A_765 = arith.constant 0 : i32
      %dma_wait3A_766 = tpu.memref_slice %arg6[%dma_wait3A_763, %dma_wait3A_764, %dma_wait3A_765] : memref<8x80x128xf32, #tpu.memory_space<vmem>> -> memref<1x80x128xf32, #tpu.memory_space<vmem>>
      %dma_wait3A_767 = tpu.memref_squeeze %dma_wait3A_766 : memref<1x80x128xf32, #tpu.memory_space<vmem>> -> memref<80x128xf32, #tpu.memory_space<vmem>>
      %dma_wait3A_768 = tpu.memref_slice %arg5[%mul3A_565] : memref<6400xi32, #tpu.memory_space<vmem>> -> memref<80xi32, #tpu.memory_space<vmem>>
      %dma_wait3A_769 = arith.constant 0 : i32
      %dma_wait3A_770 = arith.constant 0 : i32
      %dma_wait3A_771 = tpu.memref_slice %arg3[%dma_wait3A_769, %dma_wait3A_770] : memref<100000x128xf32, #tpu.memory_space<hbm>> -> memref<100000x128xf32, #tpu.memory_space<hbm>>
      tpu.wait_indirect_dma semaphore(%arg13 : memref<!tpu.dma_semaphore, #tpu.memory_space<semaphore_mem>>) src(%dma_wait3A_771 : memref<100000x128xf32, #tpu.memory_space<hbm>>) dst(%dma_wait3A_767 : memref<80x128xf32, #tpu.memory_space<vmem>>)
      %add3A_772 = arith.constant 6 : i32
      %add3A_773 = arith.addi %mul3A_392, %add3A_772 : i32
      %mul3A_774 = arith.constant 80 : i32
      %mul3A_775 = arith.muli %add3A_773, %mul3A_774 : i32
      %add3A_776 = arith.addi %mul3A_2, %mul3A_775 : i32
      %dma_start3A_777 = arith.constant 6 : i32
      %dma_start3A_778 = arith.constant 0 : i32
      %dma_start3A_779 = arith.constant 0 : i32
      %dma_start3A_780 = tpu.memref_slice %arg6[%dma_start3A_777, %dma_start3A_778, %dma_start3A_779] : memref<8x80x128xf32, #tpu.memory_space<vmem>> -> memref<1x80x128xf32, #tpu.memory_space<vmem>>
      %dma_start3A_781 = tpu.memref_squeeze %dma_start3A_780 : memref<1x80x128xf32, #tpu.memory_space<vmem>> -> memref<80x128xf32, #tpu.memory_space<vmem>>
      %dma_start3A_782 = arith.constant 0 : i32
      %dma_start3A_783 = tpu.memref_slice %arg4[%add3A_776, %dma_start3A_782] : memref<204800x128xf32, #tpu.memory_space<hbm>> -> memref<80x128xf32, #tpu.memory_space<hbm>>
      %dma_start3A_784 = arith.constant 0 : i32
      %dma_start3A_785 = tpu.memref_slice %arg4[%add3A_776, %dma_start3A_784] : memref<204800x128xf32, #tpu.memory_space<hbm>> -> memref<80x128xf32, #tpu.memory_space<hbm>>
      %dma_start3A_786 = arith.constant 0 : i32
      %dma_start3A_787 = arith.constant 0 : i32
      %dma_start3A_788 = tpu.memref_slice %arg6[%dma_start3A_777, %dma_start3A_786, %dma_start3A_787] : memref<8x80x128xf32, #tpu.memory_space<vmem>> -> memref<1x80x128xf32, #tpu.memory_space<vmem>>
      %dma_start3A_789 = tpu.memref_squeeze %dma_start3A_788 : memref<1x80x128xf32, #tpu.memory_space<vmem>> -> memref<80x128xf32, #tpu.memory_space<vmem>>
      tpu.enqueue_dma source(%dma_start3A_789 : memref<80x128xf32, #tpu.memory_space<vmem>>) target(%dma_start3A_785 : memref<80x128xf32, #tpu.memory_space<hbm>>) target_semaphore(%arg21 : memref<!tpu.dma_semaphore, #tpu.memory_space<semaphore_mem>>)
      %dma_wait3A_790 = arith.constant 7 : i32
      %dma_wait3A_791 = arith.constant 0 : i32
      %dma_wait3A_792 = arith.constant 0 : i32
      %dma_wait3A_793 = tpu.memref_slice %arg6[%dma_wait3A_790, %dma_wait3A_791, %dma_wait3A_792] : memref<8x80x128xf32, #tpu.memory_space<vmem>> -> memref<1x80x128xf32, #tpu.memory_space<vmem>>
      %dma_wait3A_794 = tpu.memref_squeeze %dma_wait3A_793 : memref<1x80x128xf32, #tpu.memory_space<vmem>> -> memref<80x128xf32, #tpu.memory_space<vmem>>
      %dma_wait3A_795 = tpu.memref_slice %arg5[%mul3A_591] : memref<6400xi32, #tpu.memory_space<vmem>> -> memref<80xi32, #tpu.memory_space<vmem>>
      %dma_wait3A_796 = arith.constant 0 : i32
      %dma_wait3A_797 = arith.constant 0 : i32
      %dma_wait3A_798 = tpu.memref_slice %arg3[%dma_wait3A_796, %dma_wait3A_797] : memref<100000x128xf32, #tpu.memory_space<hbm>> -> memref<100000x128xf32, #tpu.memory_space<hbm>>
      tpu.wait_indirect_dma semaphore(%arg14 : memref<!tpu.dma_semaphore, #tpu.memory_space<semaphore_mem>>) src(%dma_wait3A_798 : memref<100000x128xf32, #tpu.memory_space<hbm>>) dst(%dma_wait3A_794 : memref<80x128xf32, #tpu.memory_space<vmem>>)
      %add3A_799 = arith.constant 7 : i32
      %add3A_800 = arith.addi %mul3A_392, %add3A_799 : i32
      %mul3A_801 = arith.constant 80 : i32
      %mul3A_802 = arith.muli %add3A_800, %mul3A_801 : i32
      %add3A_803 = arith.addi %mul3A_2, %mul3A_802 : i32
      %dma_start3A_804 = arith.constant 7 : i32
      %dma_start3A_805 = arith.constant 0 : i32
      %dma_start3A_806 = arith.constant 0 : i32
      %dma_start3A_807 = tpu.memref_slice %arg6[%dma_start3A_804, %dma_start3A_805, %dma_start3A_806] : memref<8x80x128xf32, #tpu.memory_space<vmem>> -> memref<1x80x128xf32, #tpu.memory_space<vmem>>
      %dma_start3A_808 = tpu.memref_squeeze %dma_start3A_807 : memref<1x80x128xf32, #tpu.memory_space<vmem>> -> memref<80x128xf32, #tpu.memory_space<vmem>>
      %dma_start3A_809 = arith.constant 0 : i32
      %dma_start3A_810 = tpu.memref_slice %arg4[%add3A_803, %dma_start3A_809] : memref<204800x128xf32, #tpu.memory_space<hbm>> -> memref<80x128xf32, #tpu.memory_space<hbm>>
      %dma_start3A_811 = arith.constant 0 : i32
      %dma_start3A_812 = tpu.memref_slice %arg4[%add3A_803, %dma_start3A_811] : memref<204800x128xf32, #tpu.memory_space<hbm>> -> memref<80x128xf32, #tpu.memory_space<hbm>>
      %dma_start3A_813 = arith.constant 0 : i32
      %dma_start3A_814 = arith.constant 0 : i32
      %dma_start3A_815 = tpu.memref_slice %arg6[%dma_start3A_804, %dma_start3A_813, %dma_start3A_814] : memref<8x80x128xf32, #tpu.memory_space<vmem>> -> memref<1x80x128xf32, #tpu.memory_space<vmem>>
      %dma_start3A_816 = tpu.memref_squeeze %dma_start3A_815 : memref<1x80x128xf32, #tpu.memory_space<vmem>> -> memref<80x128xf32, #tpu.memory_space<vmem>>
      tpu.enqueue_dma source(%dma_start3A_816 : memref<80x128xf32, #tpu.memory_space<vmem>>) target(%dma_start3A_812 : memref<80x128xf32, #tpu.memory_space<hbm>>) target_semaphore(%arg22 : memref<!tpu.dma_semaphore, #tpu.memory_space<semaphore_mem>>)
    }
    %scan3A_285 = arith.constant 9 : i32
    %dma_wait3A_286 = arith.constant 0 : i32
    %dma_wait3A_287 = arith.constant 0 : i32
    %dma_wait3A_288 = arith.constant 0 : i32
    %dma_wait3A_289 = tpu.memref_slice %arg6[%dma_wait3A_286, %dma_wait3A_287, %dma_wait3A_288] : memref<8x80x128xf32, #tpu.memory_space<vmem>> -> memref<1x80x128xf32, #tpu.memory_space<vmem>>
    %dma_wait3A_290 = tpu.memref_squeeze %dma_wait3A_289 : memref<1x80x128xf32, #tpu.memory_space<vmem>> -> memref<80x128xf32, #tpu.memory_space<vmem>>
    %dma_wait3A_291 = arith.constant 0 : i32
    %dma_wait3A_292 = tpu.memref_slice %arg4[%mul3A_2, %dma_wait3A_291] : memref<204800x128xf32, #tpu.memory_space<hbm>> -> memref<80x128xf32, #tpu.memory_space<hbm>>
    %dma_wait3A_293 = arith.constant 0 : i32
    %dma_wait3A_294 = tpu.memref_slice %arg4[%mul3A_2, %dma_wait3A_293] : memref<204800x128xf32, #tpu.memory_space<hbm>> -> memref<80x128xf32, #tpu.memory_space<hbm>>
    %dma_wait3A_295 = arith.constant 0 : i32
    %dma_wait3A_296 = arith.constant 0 : i32
    %dma_wait3A_297 = tpu.memref_slice %arg6[%dma_wait3A_286, %dma_wait3A_295, %dma_wait3A_296] : memref<8x80x128xf32, #tpu.memory_space<vmem>> -> memref<1x80x128xf32, #tpu.memory_space<vmem>>
    %dma_wait3A_298 = tpu.memref_squeeze %dma_wait3A_297 : memref<1x80x128xf32, #tpu.memory_space<vmem>> -> memref<80x128xf32, #tpu.memory_space<vmem>>
    tpu.wait_dma2 semaphore(%arg15 : memref<!tpu.dma_semaphore, #tpu.memory_space<semaphore_mem>>) src(%dma_wait3A_298 : memref<80x128xf32, #tpu.memory_space<vmem>>) dst(%dma_wait3A_294 : memref<80x128xf32, #tpu.memory_space<hbm>>)
    %dma_wait3A_299 = arith.constant 1 : i32
    %dma_wait3A_300 = arith.constant 0 : i32
    %dma_wait3A_301 = arith.constant 0 : i32
    %dma_wait3A_302 = tpu.memref_slice %arg6[%dma_wait3A_299, %dma_wait3A_300, %dma_wait3A_301] : memref<8x80x128xf32, #tpu.memory_space<vmem>> -> memref<1x80x128xf32, #tpu.memory_space<vmem>>
    %dma_wait3A_303 = tpu.memref_squeeze %dma_wait3A_302 : memref<1x80x128xf32, #tpu.memory_space<vmem>> -> memref<80x128xf32, #tpu.memory_space<vmem>>
    %dma_wait3A_304 = arith.constant 0 : i32
    %dma_wait3A_305 = tpu.memref_slice %arg4[%mul3A_2, %dma_wait3A_304] : memref<204800x128xf32, #tpu.memory_space<hbm>> -> memref<80x128xf32, #tpu.memory_space<hbm>>
    %dma_wait3A_306 = arith.constant 0 : i32
    %dma_wait3A_307 = tpu.memref_slice %arg4[%mul3A_2, %dma_wait3A_306] : memref<204800x128xf32, #tpu.memory_space<hbm>> -> memref<80x128xf32, #tpu.memory_space<hbm>>
    %dma_wait3A_308 = arith.constant 0 : i32
    %dma_wait3A_309 = arith.constant 0 : i32
    %dma_wait3A_310 = tpu.memref_slice %arg6[%dma_wait3A_299, %dma_wait3A_308, %dma_wait3A_309] : memref<8x80x128xf32, #tpu.memory_space<vmem>> -> memref<1x80x128xf32, #tpu.memory_space<vmem>>
    %dma_wait3A_311 = tpu.memref_squeeze %dma_wait3A_310 : memref<1x80x128xf32, #tpu.memory_space<vmem>> -> memref<80x128xf32, #tpu.memory_space<vmem>>
    tpu.wait_dma2 semaphore(%arg16 : memref<!tpu.dma_semaphore, #tpu.memory_space<semaphore_mem>>) src(%dma_wait3A_311 : memref<80x128xf32, #tpu.memory_space<vmem>>) dst(%dma_wait3A_307 : memref<80x128xf32, #tpu.memory_space<hbm>>)
    %dma_wait3A_312 = arith.constant 2 : i32
    %dma_wait3A_313 = arith.constant 0 : i32
    %dma_wait3A_314 = arith.constant 0 : i32
    %dma_wait3A_315 = tpu.memref_slice %arg6[%dma_wait3A_312, %dma_wait3A_313, %dma_wait3A_314] : memref<8x80x128xf32, #tpu.memory_space<vmem>> -> memref<1x80x128xf32, #tpu.memory_space<vmem>>
    %dma_wait3A_316 = tpu.memref_squeeze %dma_wait3A_315 : memref<1x80x128xf32, #tpu.memory_space<vmem>> -> memref<80x128xf32, #tpu.memory_space<vmem>>
    %dma_wait3A_317 = arith.constant 0 : i32
    %dma_wait3A_318 = tpu.memref_slice %arg4[%mul3A_2, %dma_wait3A_317] : memref<204800x128xf32, #tpu.memory_space<hbm>> -> memref<80x128xf32, #tpu.memory_space<hbm>>
    %dma_wait3A_319 = arith.constant 0 : i32
    %dma_wait3A_320 = tpu.memref_slice %arg4[%mul3A_2, %dma_wait3A_319] : memref<204800x128xf32, #tpu.memory_space<hbm>> -> memref<80x128xf32, #tpu.memory_space<hbm>>
    %dma_wait3A_321 = arith.constant 0 : i32
    %dma_wait3A_322 = arith.constant 0 : i32
    %dma_wait3A_323 = tpu.memref_slice %arg6[%dma_wait3A_312, %dma_wait3A_321, %dma_wait3A_322] : memref<8x80x128xf32, #tpu.memory_space<vmem>> -> memref<1x80x128xf32, #tpu.memory_space<vmem>>
    %dma_wait3A_324 = tpu.memref_squeeze %dma_wait3A_323 : memref<1x80x128xf32, #tpu.memory_space<vmem>> -> memref<80x128xf32, #tpu.memory_space<vmem>>
    tpu.wait_dma2 semaphore(%arg17 : memref<!tpu.dma_semaphore, #tpu.memory_space<semaphore_mem>>) src(%dma_wait3A_324 : memref<80x128xf32, #tpu.memory_space<vmem>>) dst(%dma_wait3A_320 : memref<80x128xf32, #tpu.memory_space<hbm>>)
    %dma_wait3A_325 = arith.constant 3 : i32
    %dma_wait3A_326 = arith.constant 0 : i32
    %dma_wait3A_327 = arith.constant 0 : i32
    %dma_wait3A_328 = tpu.memref_slice %arg6[%dma_wait3A_325, %dma_wait3A_326, %dma_wait3A_327] : memref<8x80x128xf32, #tpu.memory_space<vmem>> -> memref<1x80x128xf32, #tpu.memory_space<vmem>>
    %dma_wait3A_329 = tpu.memref_squeeze %dma_wait3A_328 : memref<1x80x128xf32, #tpu.memory_space<vmem>> -> memref<80x128xf32, #tpu.memory_space<vmem>>
    %dma_wait3A_330 = arith.constant 0 : i32
    %dma_wait3A_331 = tpu.memref_slice %arg4[%mul3A_2, %dma_wait3A_330] : memref<204800x128xf32, #tpu.memory_space<hbm>> -> memref<80x128xf32, #tpu.memory_space<hbm>>
    %dma_wait3A_332 = arith.constant 0 : i32
    %dma_wait3A_333 = tpu.memref_slice %arg4[%mul3A_2, %dma_wait3A_332] : memref<204800x128xf32, #tpu.memory_space<hbm>> -> memref<80x128xf32, #tpu.memory_space<hbm>>
    %dma_wait3A_334 = arith.constant 0 : i32
    %dma_wait3A_335 = arith.constant 0 : i32
    %dma_wait3A_336 = tpu.memref_slice %arg6[%dma_wait3A_325, %dma_wait3A_334, %dma_wait3A_335] : memref<8x80x128xf32, #tpu.memory_space<vmem>> -> memref<1x80x128xf32, #tpu.memory_space<vmem>>
    %dma_wait3A_337 = tpu.memref_squeeze %dma_wait3A_336 : memref<1x80x128xf32, #tpu.memory_space<vmem>> -> memref<80x128xf32, #tpu.memory_space<vmem>>
    tpu.wait_dma2 semaphore(%arg18 : memref<!tpu.dma_semaphore, #tpu.memory_space<semaphore_mem>>) src(%dma_wait3A_337 : memref<80x128xf32, #tpu.memory_space<vmem>>) dst(%dma_wait3A_333 : memref<80x128xf32, #tpu.memory_space<hbm>>)
    %dma_wait3A_338 = arith.constant 4 : i32
    %dma_wait3A_339 = arith.constant 0 : i32
    %dma_wait3A_340 = arith.constant 0 : i32
    %dma_wait3A_341 = tpu.memref_slice %arg6[%dma_wait3A_338, %dma_wait3A_339, %dma_wait3A_340] : memref<8x80x128xf32, #tpu.memory_space<vmem>> -> memref<1x80x128xf32, #tpu.memory_space<vmem>>
    %dma_wait3A_342 = tpu.memref_squeeze %dma_wait3A_341 : memref<1x80x128xf32, #tpu.memory_space<vmem>> -> memref<80x128xf32, #tpu.memory_space<vmem>>
    %dma_wait3A_343 = arith.constant 0 : i32
    %dma_wait3A_344 = tpu.memref_slice %arg4[%mul3A_2, %dma_wait3A_343] : memref<204800x128xf32, #tpu.memory_space<hbm>> -> memref<80x128xf32, #tpu.memory_space<hbm>>
    %dma_wait3A_345 = arith.constant 0 : i32
    %dma_wait3A_346 = tpu.memref_slice %arg4[%mul3A_2, %dma_wait3A_345] : memref<204800x128xf32, #tpu.memory_space<hbm>> -> memref<80x128xf32, #tpu.memory_space<hbm>>
    %dma_wait3A_347 = arith.constant 0 : i32
    %dma_wait3A_348 = arith.constant 0 : i32
    %dma_wait3A_349 = tpu.memref_slice %arg6[%dma_wait3A_338, %dma_wait3A_347, %dma_wait3A_348] : memref<8x80x128xf32, #tpu.memory_space<vmem>> -> memref<1x80x128xf32, #tpu.memory_space<vmem>>
    %dma_wait3A_350 = tpu.memref_squeeze %dma_wait3A_349 : memref<1x80x128xf32, #tpu.memory_space<vmem>> -> memref<80x128xf32, #tpu.memory_space<vmem>>
    tpu.wait_dma2 semaphore(%arg19 : memref<!tpu.dma_semaphore, #tpu.memory_space<semaphore_mem>>) src(%dma_wait3A_350 : memref<80x128xf32, #tpu.memory_space<vmem>>) dst(%dma_wait3A_346 : memref<80x128xf32, #tpu.memory_space<hbm>>)
    %dma_wait3A_351 = arith.constant 5 : i32
    %dma_wait3A_352 = arith.constant 0 : i32
    %dma_wait3A_353 = arith.constant 0 : i32
    %dma_wait3A_354 = tpu.memref_slice %arg6[%dma_wait3A_351, %dma_wait3A_352, %dma_wait3A_353] : memref<8x80x128xf32, #tpu.memory_space<vmem>> -> memref<1x80x128xf32, #tpu.memory_space<vmem>>
    %dma_wait3A_355 = tpu.memref_squeeze %dma_wait3A_354 : memref<1x80x128xf32, #tpu.memory_space<vmem>> -> memref<80x128xf32, #tpu.memory_space<vmem>>
    %dma_wait3A_356 = arith.constant 0 : i32
    %dma_wait3A_357 = tpu.memref_slice %arg4[%mul3A_2, %dma_wait3A_356] : memref<204800x128xf32, #tpu.memory_space<hbm>> -> memref<80x128xf32, #tpu.memory_space<hbm>>
    %dma_wait3A_358 = arith.constant 0 : i32
    %dma_wait3A_359 = tpu.memref_slice %arg4[%mul3A_2, %dma_wait3A_358] : memref<204800x128xf32, #tpu.memory_space<hbm>> -> memref<80x128xf32, #tpu.memory_space<hbm>>
    %dma_wait3A_360 = arith.constant 0 : i32
    %dma_wait3A_361 = arith.constant 0 : i32
    %dma_wait3A_362 = tpu.memref_slice %arg6[%dma_wait3A_351, %dma_wait3A_360, %dma_wait3A_361] : memref<8x80x128xf32, #tpu.memory_space<vmem>> -> memref<1x80x128xf32, #tpu.memory_space<vmem>>
    %dma_wait3A_363 = tpu.memref_squeeze %dma_wait3A_362 : memref<1x80x128xf32, #tpu.memory_space<vmem>> -> memref<80x128xf32, #tpu.memory_space<vmem>>
    tpu.wait_dma2 semaphore(%arg20 : memref<!tpu.dma_semaphore, #tpu.memory_space<semaphore_mem>>) src(%dma_wait3A_363 : memref<80x128xf32, #tpu.memory_space<vmem>>) dst(%dma_wait3A_359 : memref<80x128xf32, #tpu.memory_space<hbm>>)
    %dma_wait3A_364 = arith.constant 6 : i32
    %dma_wait3A_365 = arith.constant 0 : i32
    %dma_wait3A_366 = arith.constant 0 : i32
    %dma_wait3A_367 = tpu.memref_slice %arg6[%dma_wait3A_364, %dma_wait3A_365, %dma_wait3A_366] : memref<8x80x128xf32, #tpu.memory_space<vmem>> -> memref<1x80x128xf32, #tpu.memory_space<vmem>>
    %dma_wait3A_368 = tpu.memref_squeeze %dma_wait3A_367 : memref<1x80x128xf32, #tpu.memory_space<vmem>> -> memref<80x128xf32, #tpu.memory_space<vmem>>
    %dma_wait3A_369 = arith.constant 0 : i32
    %dma_wait3A_370 = tpu.memref_slice %arg4[%mul3A_2, %dma_wait3A_369] : memref<204800x128xf32, #tpu.memory_space<hbm>> -> memref<80x128xf32, #tpu.memory_space<hbm>>
    %dma_wait3A_371 = arith.constant 0 : i32
    %dma_wait3A_372 = tpu.memref_slice %arg4[%mul3A_2, %dma_wait3A_371] : memref<204800x128xf32, #tpu.memory_space<hbm>> -> memref<80x128xf32, #tpu.memory_space<hbm>>
    %dma_wait3A_373 = arith.constant 0 : i32
    %dma_wait3A_374 = arith.constant 0 : i32
    %dma_wait3A_375 = tpu.memref_slice %arg6[%dma_wait3A_364, %dma_wait3A_373, %dma_wait3A_374] : memref<8x80x128xf32, #tpu.memory_space<vmem>> -> memref<1x80x128xf32, #tpu.memory_space<vmem>>
    %dma_wait3A_376 = tpu.memref_squeeze %dma_wait3A_375 : memref<1x80x128xf32, #tpu.memory_space<vmem>> -> memref<80x128xf32, #tpu.memory_space<vmem>>
    tpu.wait_dma2 semaphore(%arg21 : memref<!tpu.dma_semaphore, #tpu.memory_space<semaphore_mem>>) src(%dma_wait3A_376 : memref<80x128xf32, #tpu.memory_space<vmem>>) dst(%dma_wait3A_372 : memref<80x128xf32, #tpu.memory_space<hbm>>)
    %dma_wait3A_377 = arith.constant 7 : i32
    %dma_wait3A_378 = arith.constant 0 : i32
    %dma_wait3A_379 = arith.constant 0 : i32
    %dma_wait3A_380 = tpu.memref_slice %arg6[%dma_wait3A_377, %dma_wait3A_378, %dma_wait3A_379] : memref<8x80x128xf32, #tpu.memory_space<vmem>> -> memref<1x80x128xf32, #tpu.memory_space<vmem>>
    %dma_wait3A_381 = tpu.memref_squeeze %dma_wait3A_380 : memref<1x80x128xf32, #tpu.memory_space<vmem>> -> memref<80x128xf32, #tpu.memory_space<vmem>>
    %dma_wait3A_382 = arith.constant 0 : i32
    %dma_wait3A_383 = tpu.memref_slice %arg4[%mul3A_2, %dma_wait3A_382] : memref<204800x128xf32, #tpu.memory_space<hbm>> -> memref<80x128xf32, #tpu.memory_space<hbm>>
    %dma_wait3A_384 = arith.constant 0 : i32
    %dma_wait3A_385 = tpu.memref_slice %arg4[%mul3A_2, %dma_wait3A_384] : memref<204800x128xf32, #tpu.memory_space<hbm>> -> memref<80x128xf32, #tpu.memory_space<hbm>>
    %dma_wait3A_386 = arith.constant 0 : i32
    %dma_wait3A_387 = arith.constant 0 : i32
    %dma_wait3A_388 = tpu.memref_slice %arg6[%dma_wait3A_377, %dma_wait3A_386, %dma_wait3A_387] : memref<8x80x128xf32, #tpu.memory_space<vmem>> -> memref<1x80x128xf32, #tpu.memory_space<vmem>>
    %dma_wait3A_389 = tpu.memref_squeeze %dma_wait3A_388 : memref<1x80x128xf32, #tpu.memory_space<vmem>> -> memref<80x128xf32, #tpu.memory_space<vmem>>
    tpu.wait_dma2 semaphore(%arg22 : memref<!tpu.dma_semaphore, #tpu.memory_space<semaphore_mem>>) src(%dma_wait3A_389 : memref<80x128xf32, #tpu.memory_space<vmem>>) dst(%dma_wait3A_385 : memref<80x128xf32, #tpu.memory_space<hbm>>)
    return
  }
}

</mosaic_0001>

<sc_bundles>
// kernel: kernel.3.cloned.1.call-start
scs
__scs_entry_jumppad:
0x0: {  	(pc) =	sbr.rel $0x88, $3  }
0x1: {  	(tag) =	ssettag $0x0;
	lr =	simm.s32 $0x1  }
0x2: {  	[smem:$0x3F9F] =	sst lr;
	_ =	strace $0xD0000000  }
0x3: {  	_ = 	snop  }
0x4: {  	_ = 	snop  }
0x5: {  	_ = 	snop  }
0x6: {  	_ = 	snop  }
0x7: {  	_ = 	snop  }
__scs_overlays_trampoline_lowered:
0x8: {  	[smem:$0x3FAE] =	sst s0  }
0x9: {  	[smem:$0x3FAF] =	sst s1  }
0xa: {  	[smem:$0x3FB0] =	sst s2  }
0xb: {  	[smem:$0x3FB1] =	sst s3  }
0xc: {  	[smem:$0x3FB2] =	sst s4  }
0xd: {  	[smem:$0x3FB3] =	sst s5  }
0xe: {  	[smem:$0x3FB4] =	sst s6  }
0xf: {  	[smem:$0x3FB5] =	sst s7  }
0x10: {  	[smem:$0x3FB6] =	sst s8  }
0x11: {  	[smem:$0x3FB7] =	sst s9;
	s0 =	simm.s32 @!p0 $0x0  }
0x12: {  	s1 =	sld [smem:$0x3F9D];
	s0 =	simm.s32 @p0 $0x1  }
0x13: {  	[smem:$0x3FB8] =	sst s0;
	s0 =	simm.s32 @!p1 $0x0  }
0x14: {  	s2 =	sld [smem:$0x3F9C];
	s0 =	simm.s32 @p1 $0x1  }
0x15: {  	[smem:$0x3FB9] =	sst s0;
	s0 =	simm.s32 @!p2 $0x0  }
0x16: {  	s3 =	sld [smem:$0x3FDB];
	s0 =	simm.s32 @p2 $0x1  }
0x17: {  	s4 =	simm.s32 $0x1BF5;
	[smem:$0x3FBB] =	sst s0  }
0x18: {  	s0 =	sld [smem:$0x3F9E];
	_ =	swait.ge [sflag:s4], $0x0  }
0x19: {  	s7 =	sld [smem:$0x3F9F]  }
0x1a: {  	s8 =	sadd.s32 $0xFFFFE003, lr  }
0x1b: {  	s9 =	sadd.s32 $0xFFFFFEF7, lr;
	s5 =	simm.s32 $0xFFFFFFFF;
	p2 =	slt.u32 s8, $0xFFFFF086  }
0x1c: {  	p1 =	slt.u32 s9, $0xF7A;
	s5 =	simm.s32 @!p2 $0x0  }
0x1d: {  	s5 =	simm.s32 @p1 $0x1;
	p0 =	seq.s32 s7, s2  }
0x1e: {  	s7 =	smul.u32 @!p0 $0xF7A, s2;
	p2 =	seq.s32 @!p0 s5, $0x0  }
0x1f: {  	s9 =	smul.u32 $0xF7A, s1;
	s8 =	simm.s32 @!p0 $0x1BF5;
	p2 =	por !p2, p0  }
0x20: {  	[sflag:s8] =	ssyncset.s32 @!p0 $0xFFFFF086;
	s6 =	sadd.s32 @!p0 s3, s7;
	s7 =	simm.s32 @!p0 $0x108  }
0x21: {  	s3 =	sadd.s32 s3, s9;
	s6 =	sadd.s32 @!p0 $0x88, s6;
	s7 =	simm.s32 @p2 $0x1082  }
0x22: {  	[simem:s7], [sflag:s8] =	dma.local @!p0 [hbm:s6], $0xF7A  }
0x23: {  	s9 =	sor.u32 $0xD0000000, s2;
	s6 =	simm.s32 $0x108;
	_ =	swait.ge @!p0 [sflag:s8], $0x0  }
0x24: {  	s3 =	sadd.s32 $0x88, s3;
	s6 =	simm.s32 @!p1 $0x1082;
	[sflag:s4] =	ssyncset.s32 $0xFFFFF086  }
0x25: {  	[simem:s6], [sflag:s4] =	dma.local [hbm:s3], $0xF7A  }
0x26: {  	[smem:$0x3F9F] =	sst s1;
	(tag) =	ssettag s2;
	_ =	strace s9  }
0x27: {  	s1 =	sld [smem:$0x3FAF]  }
0x28: {  	s2 =	sld [smem:$0x3FB0]  }
0x29: {  	s4 =	sld [smem:$0x3FB2]  }
0x2a: {  	p0 =	seq.s32 s5, $0x0;
	s5 =	sld [smem:$0x3FB3]  }
0x2b: {  	s6 =	sld [smem:$0x3FB4]  }
0x2c: {  	s7 =	sld [smem:$0x3FB5]  }
0x2d: {  	s3 =	simm.s32 $0x108;
	s8 =	sld [smem:$0x3FB6]  }
0x2e: {  	s3 =	simm.s32 @!p0 $0x1082;
	s9 =	sld [smem:$0x3FB7]  }
0x2f: {  	lr =	sadd.s32 s0, s3;
	s0 =	sld [smem:$0x3FAE]  }
0x30: {  	s3 =	sld [smem:$0x3FB1]  }
0x31: {  	[smem:$0x3FBA] =	sst s10  }
0x32: {  	s10 =	sld [smem:$0x3FB8];
	_ =	sdelay $0x3  }
0x33: {  	p0 =	seq.s32 s10, $0x1;
	s10 =	sld [smem:$0x3FBA];
	_ =	sdelay $0x3  }
0x34: {  	[smem:$0x3FBA] =	sst s10  }
0x35: {  	s10 =	sld [smem:$0x3FB9];
	_ =	sdelay $0x3  }
0x36: {  	p1 =	seq.s32 s10, $0x1;
	s10 =	sld [smem:$0x3FBA];
	_ =	sdelay $0x3  }
0x37: {  	[smem:$0x3FBA] =	sst s10  }
0x38: {  	s10 =	sld [smem:$0x3FBB]  }
0x39: {  	_ = 	snop;
	(pc) =	sbr.ind lr, $3  }
0x3a: {  	_ = 	snop  }
0x3b: {  	_ = 	snop  }
0x3c: {  	p2 =	seq.s32 s10, $0x1;
	s10 =	sld [smem:$0x3FBA]  }
0x3d: {  	_ =	shalt  }
0x3e: {  	_ =	shalt  }
0x3f: {  	_ =	shalt  }
0x40: {  	_ =	shalt  }
0x41: {  	_ =	shalt  }
0x42: {  	_ =	shalt  }
0x43: {  	_ =	shalt  }
0x44: {  	_ =	shalt  }
0x45: {  	_ =	shalt  }
0x46: {  	_ =	shalt  }
0x47: {  	_ =	shalt  }
0x48: {  	_ =	shalt  }
0x49: {  	_ =	shalt  }
0x4a: {  	_ =	shalt  }
0x4b: {  	_ =	shalt  }
0x4c: {  	_ =	shalt  }
0x4d: {  	_ =	shalt  }
0x4e: {  	_ =	shalt  }
0x4f: {  	_ =	shalt  }
0x50: {  	_ =	shalt  }
0x51: {  	_ =	shalt  }
0x52: {  	_ =	shalt  }
0x53: {  	_ =	shalt  }
0x54: {  	_ =	shalt  }
0x55: {  	_ =	shalt  }
0x56: {  	_ =	shalt  }
0x57: {  	_ =	shalt  }
0x58: {  	_ =	shalt  }
0x59: {  	_ =	shalt  }
0x5a: {  	_ =	shalt  }
0x5b: {  	_ =	shalt  }
0x5c: {  	_ =	shalt  }
0x5d: {  	_ =	shalt  }
0x5e: {  	_ =	shalt  }
0x5f: {  	_ =	shalt  }
0x60: {  	_ =	shalt  }
0x61: {  	_ =	shalt  }
0x62: {  	_ =	shalt  }
0x63: {  	_ =	shalt  }
0x64: {  	_ =	shalt  }
0x65: {  	_ =	shalt  }
0x66: {  	_ =	shalt  }
0x67: {  	_ =	shalt  }
0x68: {  	_ =	shalt  }
0x69: {  	_ =	shalt  }
0x6a: {  	_ =	shalt  }
0x6b: {  	_ =	shalt  }
0x6c: {  	_ =	shalt  }
0x6d: {  	_ =	shalt  }
0x6e: {  	_ =	shalt  }
0x6f: {  	_ =	shalt  }
0x70: {  	_ =	shalt  }
0x71: {  	_ =	shalt  }
0x72: {  	_ =	shalt  }
0x73: {  	_ =	shalt  }
0x74: {  	_ =	shalt  }
0x75: {  	_ =	shalt  }
0x76: {  	_ =	shalt  }
0x77: {  	_ =	shalt  }
0x78: {  	_ =	shalt  }
0x79: {  	_ =	shalt  }
0x7a: {  	_ =	shalt  }
0x7b: {  	_ =	shalt  }
0x7c: {  	_ =	shalt  }
0x7d: {  	_ =	shalt  }
0x7e: {  	_ =	shalt  }
0x7f: {  	_ =	shalt  }
0x80: {  	_ =	shalt  }
0x81: {  	_ =	shalt  }
0x82: {  	_ =	shalt  }
0x83: {  	_ =	shalt  }
0x84: {  	_ =	shalt  }
0x85: {  	_ =	shalt  }
0x86: {  	_ =	shalt  }
0x87: {  	_ =	shalt  }
.Lfunc_end0:
.L_simem_size_0:
called_computation_lowered:
.L_overlay_start_0:
0x88: {  	s2 =	sld [smem:$0x3FD9]  }
0x89: {  	s3 =	sld [smem:$0x3FFE];
	_ =	sdelay $0x1  }
0x8a: {  	s1 =	srdreg.scid  }
0x8b: {  	s0 =	sand.u32 $0x1, s1  }
0x8c: {  	s17 =	sshll.u32 s0, $0xA;
	s2 =	sadd.s32 s3, s2  }
0x8d: {  	s2 =	sadd.s32 s2, s17  }
0x8e: {  	[smem:$0x3FC6] =	sst s2  }
0x8f: {  	_ = 	snop  }
0x90: {  	s2 =	sld [smem:$0x3FC8]  }
0x91: {  	s18 =	sld [smem:$0x3FD0];
	(tm) =	ssettm $0x1  }
0x92: {  	s4 =	sld [smem:$0x3FFB];
	_ =	sdelay $0x3  }
0x93: {  	_ =	strace s4  }
0x94: {  	s4 =	sld [smem:$0x3FFC];
	_ =	sdelay $0x3  }
0x95: {  	_ =	strace s4  }
0x96: {  	s4 =	sld [smem:$0x3FFD];
	_ =	sdelay $0x3  }
0x97: {  	_ =	strace s4  }
0x98: {  	_ =	strace $0x8FFFFFFF  }
0x99: {  	s19 =	sld [smem:$0x3FDB];
	_ =	sdelay $0x1  }
0x9a: {  	s5 =	simm.s32 $_scs_section_size  }
0x9b: {  	s6 =	simm.s32 $_size__tile_overlayer_lowered;
	s7 =	simm.s32 $_tile_overlayer_lowered  }
0x9c: {  	s22 =	simm.s32 $0x1BFF;
	s21 =	sshll.u32 s7, $0x1;
	s4 =	sadd.s32 s5, s19  }
0x9d: {  	s8 =	simm.s32 $0x0;
	s20 =	sshll.u32 s6, $0x1;
	s6 =	sadd.s32 s21, s4  }
0x9e: {  	[timem:s8], [sflag:s22] =	dma.local [hbm:s6], s20  }
0x9f: {  	_ =	swait.ge [sflag:s22], s20  }
0xa0: {  	s5 =	ssub.s32 $0x0, s20;
	[sflag:s22] =	ssyncset.done $0x0  }
0xa1: {  	[sflag:s22] =	ssyncadd.s32 s5;
	_ =	sdelay $0x1  }
0xa2: {  	s23 =	simm.s32 $0x1B8B  }
0xa3: {  	_ =	swait.ge [sflag:s23], $0x1  }
0xa4: {  	[sflag:s23] =	ssyncset.done $0x0  }
0xa5: {  	s25 =	simm.s32 $0x1B8E;
	s24 =	sld [smem:$0x3FFE];
	[sflag:s23] =	ssyncadd.s32 $0xFFFFFFFF  }
0xa6: {  	s26 =	simm.s32 $execute0_lowered;
	[smem:$0x3FD2] =	sst s25  }
0xa7: {  	s6 =	sshll.u32 s26, $0x1;
	_ =	strace $0x80000046;
	[dreg:$0x1] =	wrdreg $0xFFFFFFFF  }
0xa8: {  	s28 =	simm.s32 $_size_execute0_lowered;
	s4 =	sadd.s32 s4, s6;
	[dreg:$0x0] =	wrdreg $0x0  }
0xa9: {  	s6 =	sshll.u32 s28, $0x1;
	[dreg:$0x2] =	wrdreg s4  }
0xaa: {  	[dreg:$0x3] =	wrdreg s6  }
0xab: {  	[dreg:$0x4] =	wrdreg $0xC0  }
0xac: {  	_ =	task [dreg:s8], $0x5FFFF  }
0xad: {  	[dreg:$0x1] =	wrdreg $0xFFFFFFFF  }
0xae: {  	[dreg:$0x0] =	wrdreg $0x60  }
0xaf: {  	[dreg:$0x2] =	wrdreg s24  }
0xb0: {  	[dreg:$0x3] =	wrdreg s2  }
0xb1: {  	[dreg:$0x4] =	wrdreg s18  }
0xb2: {  	[dreg:$0x5] =	wrdreg $0x9  }
0xb3: {  	_ =	task.clear_ibuf [dreg:s8], $0x6FFFF;
	_ =	strace $0x90000046  }
0xb4: {  	s29 =	simm.s32 $0x9;
	_ =	strace $0x80000048  }
0xb5: {  	_ =	swait.ge [sflag:s29], $0x1  }
0xb6: {  	[sflag:s29] =	ssyncadd.s32 $0xFFFFFFFF  }
0xb7: {  	_ =	strace $0x90000048  }
0xb8: {  	_ =	sfence  }
0xb9: {  	s30 =	sld [smem:$0x0];
	_ =	sdelay $0x2  }
0xba: {  	s31 =	sshll.u32 s1, $0xD;
	s1 =	sshrl.u32 s1, $0x2  }
0xbb: {  	s3 =	sand.u32 $0x4000, s31;
	s1 =	sadd.s32 s1, s30  }
0xbc: {  	s0 =	sor.u32 s3, s0;
	s1 =	sshll.u32 s1, $0x11  }
0xbd: {  	s0 =	sor.u32 s1, s0  }
0xbe: {  	s0 =	sadd.s32 $0x8F2B, s0  }
0xbf: {  	[sflag:s0] =	ssyncadd.remote.s32 $0x1  }
0xc0: {  	_ =	sfence.sel $0xFFFF  }
0xc1: {  	[dreg:$0x0] =	wrdreg $0xFFFFFFFF;
	(pc) =	sbr.abs _section_cstart, $3  }
0xc2: {  	[dreg:$0x1] =	wrdreg $0xFFFFFFFF  }
0xc3: {  	_ =	task.clear_ibuf [dreg:s8], $0x2FFFF;
	_ =	strace $0x9FFFFFFF  }
0xc4: {  	(tm) =	ssettm $0x7FFFFFFF  }
0xc5: {  	_ =	shalt  }
tec
execute0_lowered:
.L_overlay_start_1:
0x0: {  	(tag) =	ssettag $0x1  }
0x1: {  	s0 =	rddreg [dreg:$0x0]  }
0x2: {  	s2 =	rddreg [dreg:$0x1];
	s1 =	srdreg.scid  }
0x3: {  	s9 =	stileid.u32;
	s4 =	rddreg [dreg:$0x2];
	s3 =	simm.s32 $0x0  }
0x4: {  	s15 =	simm.s32 $0x50;
	s16 =	simm.s32 $0x1900;
	s17 =	simm.s32 $0x4100  }
0x5: {  	s28 =	simm.s32 $0x10900;
	s30 =	simm.s32 $0x13100;
	s31 =	simm.s32 $0x1  }
0x6: {  	s29 =	simm.s32 $0x9;
	s1 =	sand.u32 $0x1, s1;
	s5 =	sshll.u32 s9, $0x1  }
0x7: {  	s10 =	simm.s32 $0xF;
	s22 =	smul.u32 $0x32000, s9;
	s5 =	sor.u32 s1, s5  }
0x8: {  	s11 =	simm.s32 $0x10;
	s12 =	simm.s32 $0x0;
	s6 =	smul.u32 $0x1900, s5  }
0x9: {  	[smem:$0x7FF] =	sst s3;
	s9 =	simm.s32 $0xE;
	s8 =	smul.u32 $0x19000, s5  }
0xa: {  	_ =	strace $0x80000047;
	s7 =	ssub.s32 $0x2, s1;
	s5 =	smul.u32 $0xC8000, s5  }
0xb: {  	s1 =	smul.u32 $0x19000, s1;
	s18 =	sshrl.u32 s7, $0x1;
	s6 =	sshrl.u32 s6, $0x3  }
0xc: {  	s19 =	sadd.s32 s4, s8;
	s21 =	sshrl.u32 s5, $0x3;
	s0 =	sadd.s32 s6, s0  }
0xd: {  	s6 =	ssub.s32 s7, s18;
	s20 =	sadd.s32 $0x500, s19;
	[dreg:$0x6] =	wrdreg s19  }
0xe: {  	s8 =	sadd.s32 $0xA00, s19;
	s7 =	sadd.s32 $0xF00, s19;
	[dreg:$0x7] =	wrdreg s20  }
0xf: {  	s19 =	simm.s32 $0x6900;
	s18 =	simm.s32 $0x4;
	[dreg:$0x8] =	wrdreg s8  }
0x10: {  	s0 =	sadd.s32 $0x400, s0;
	[dreg:$0x9] =	wrdreg s7;
	s26 =	smax.u32 s6, $0x1  }
0x11: {  	s20 =	simm.s32 $0x5;
	s6 =	simm.s32 $0xB;
	s7 =	simm.s32 $0xC  }
0x12: {  	s8 =	simm.s32 $0xD;
	[dreg:$0x5] =	wrdreg s0;
	s0 =	sadd.s32 s4, s21  }
0x13: {  	s4 =	sadd.s32 s22, s4;
	[dreg:$0xe] =	wrdreg s26;
	s23 =	sadd.s32 $0x1400, s0  }
0x14: {  	s21 =	simm.s32 $0x9100;
	s24 =	sadd.s32 $0x1900, s0;
	[dreg:$0xa] =	wrdreg s23  }
0x15: {  	s22 =	simm.s32 $0x6;
	s25 =	sadd.s32 $0x1E00, s0;
	[dreg:$0xb] =	wrdreg s24  }
0x16: {  	s26 =	simm.s32 $0x8;
	s0 =	sadd.s32 $0x2300, s0;
	[dreg:$0xc] =	wrdreg s25  }
0x17: {  	s1 =	sadd.s32 s1, s4;
	s4 =	simm.s32 $0xA;
	[dreg:$0xd] =	wrdreg s0  }
0x18: {  	[dreg:$0x4] =	wrdreg s1;
	s23 =	simm.s32 $0xB900;
	s25 =	simm.s32 $0xE100  }
0x19: {  	s1 =	simm.s32 $0x2;
	s0 =	simm.s32 $0x3;
	s24 =	simm.s32 $0x7  }
.LBB2_1:
0x1a: {  	[dreg:$0xf] =	wrdreg s12  }
0x1b: {  	s5 =	rddreg [dreg:$0x5];
	s12 =	simm.s32 $0x11  }
0x1c: {  	[tilespmem:s3], [sflag:$0x11] =	stream.linear.gather [hbm4b:s5+s3], $0x1900, $0x38;
	[tilespmem:$0x15900] =	vst v63  }
0x1d: {  	_ =	swait.ge [sflag:s12], $0x1900  }
0x1e: {  	[sflag:s12] =	ssyncset.done $0x0  }
0x1f: {  	[sflag:s12] =	ssyncadd.s32 $0xFFFFE700  }
0x20: {  	[tilespmem:s16], [sflag:$0x1] =	stream.indirect.gather [hbm4b:s2+s15], $0x80, s3, s15, $0xb8;
	[tilespmem:$0x15900] =	vst v63  }
0x21: {  	_ = 	snop  }
0x22: {  	[tilespmem:s17], [sflag:$0x2] =	stream.indirect.gather [hbm4b:s2+s15], $0x80, s15, s15, $0xb8;
	[tilespmem:$0x15900] =	vst v63  }
0x23: {  	s13 =	simm.s32 $0xA0  }
0x24: {  	[tilespmem:s19], [sflag:$0x3] =	stream.indirect.gather [hbm4b:s2+s15], $0x80, s13, s15, $0xb8;
	[tilespmem:$0x15900] =	vst v63  }
0x25: {  	s14 =	simm.s32 $0xF0  }
0x26: {  	[tilespmem:s21], [sflag:$0x4] =	stream.indirect.gather [hbm4b:s2+s15], $0x80, s14, s15, $0xb8;
	[tilespmem:$0x15900] =	vst v63  }
0x27: {  	s12 =	simm.s32 $0x140  }
0x28: {  	[tilespmem:s23], [sflag:$0x5] =	stream.indirect.gather [hbm4b:s2+s15], $0x80, s12, s15, $0xb8;
	[tilespmem:$0x15900] =	vst v63  }
0x29: {  	s13 =	simm.s32 $0x190  }
0x2a: {  	[tilespmem:s25], [sflag:$0x6] =	stream.indirect.gather [hbm4b:s2+s15], $0x80, s13, s15, $0xb8;
	[tilespmem:$0x15900] =	vst v63  }
0x2b: {  	s14 =	simm.s32 $0x1E0  }
0x2c: {  	[tilespmem:s28], [sflag:$0x7] =	stream.indirect.gather [hbm4b:s2+s15], $0x80, s14, s15, $0xb8;
	[tilespmem:$0x15900] =	vst v63  }
0x2d: {  	s12 =	simm.s32 $0x230  }
0x2e: {  	[tilespmem:s30], [sflag:$0x8] =	stream.indirect.gather [hbm4b:s2+s15], $0x80, s12, s15, $0xb8;
	[tilespmem:$0x15900] =	vst v63  }
0x2f: {  	_ =	swait.ge [sflag:s31], $0x2800  }
0x30: {  	[sflag:s31] =	ssyncset.done $0x0  }
0x31: {  	s13 =	rddreg [dreg:$0x6];
	[sflag:s31] =	ssyncadd.s32 $0xFFFFD800  }
0x32: {  	[hbm4b:s13+s3] =	stream.linear.scatter [tilespmem:s16], [sflag:$0x9], $0x2800, $0x38;
	[tilespmem:$0x15900] =	vst v63  }
0x33: {  	_ =	swait.ge [sflag:s1], $0x2800  }
0x34: {  	[sflag:s1] =	ssyncset.done $0x0  }
0x35: {  	s14 =	rddreg [dreg:$0x7];
	[sflag:s1] =	ssyncadd.s32 $0xFFFFD800  }
0x36: {  	[hbm4b:s14+s3] =	stream.linear.scatter [tilespmem:s17], [sflag:$0xA], $0x2800, $0x38;
	[tilespmem:$0x15900] =	vst v63  }
0x37: {  	_ =	swait.ge [sflag:s0], $0x2800  }
0x38: {  	[sflag:s0] =	ssyncset.done $0x0  }
0x39: {  	s12 =	rddreg [dreg:$0x8];
	[sflag:s0] =	ssyncadd.s32 $0xFFFFD800  }
0x3a: {  	[hbm4b:s12+s3] =	stream.linear.scatter [tilespmem:s19], [sflag:$0xB], $0x2800, $0x38;
	[tilespmem:$0x15900] =	vst v63  }
0x3b: {  	_ =	swait.ge [sflag:s18], $0x2800  }
0x3c: {  	[sflag:s18] =	ssyncset.done $0x0  }
0x3d: {  	s13 =	rddreg [dreg:$0x9];
	[sflag:s18] =	ssyncadd.s32 $0xFFFFD800  }
0x3e: {  	[hbm4b:s13+s3] =	stream.linear.scatter [tilespmem:s21], [sflag:$0xC], $0x2800, $0x38;
	[tilespmem:$0x15900] =	vst v63  }
0x3f: {  	_ =	swait.ge [sflag:s20], $0x2800  }
0x40: {  	[sflag:s20] =	ssyncset.done $0x0  }
0x41: {  	s14 =	rddreg [dreg:$0xa];
	[sflag:s20] =	ssyncadd.s32 $0xFFFFD800  }
0x42: {  	[hbm4b:s14+s3] =	stream.linear.scatter [tilespmem:s23], [sflag:$0xD], $0x2800, $0x38;
	[tilespmem:$0x15900] =	vst v63  }
0x43: {  	_ =	swait.ge [sflag:s22], $0x2800  }
0x44: {  	[sflag:s22] =	ssyncset.done $0x0  }
0x45: {  	s12 =	rddreg [dreg:$0xb];
	[sflag:s22] =	ssyncadd.s32 $0xFFFFD800  }
0x46: {  	[hbm4b:s12+s3] =	stream.linear.scatter [tilespmem:s25], [sflag:$0xE], $0x2800, $0x38;
	[tilespmem:$0x15900] =	vst v63  }
0x47: {  	_ =	swait.ge [sflag:s24], $0x2800  }
0x48: {  	[sflag:s24] =	ssyncset.done $0x0  }
0x49: {  	s13 =	rddreg [dreg:$0xc];
	[sflag:s24] =	ssyncadd.s32 $0xFFFFD800  }
0x4a: {  	[hbm4b:s13+s3] =	stream.linear.scatter [tilespmem:s28], [sflag:$0xF], $0x2800, $0x38;
	[tilespmem:$0x15900] =	vst v63  }
0x4b: {  	_ =	swait.ge [sflag:s26], $0x2800  }
0x4c: {  	[sflag:s26] =	ssyncset.done $0x0  }
0x4d: {  	s14 =	rddreg [dreg:$0xd];
	[sflag:s26] =	ssyncadd.s32 $0xFFFFD800  }
0x4e: {  	[hbm4b:s14+s3] =	stream.linear.scatter [tilespmem:s30], [sflag:$0x10], $0x2800, $0x38;
	[tilespmem:$0x15900] =	vst v63  }
0x4f: {  	_ =	swait.ge [sflag:s29], $0x2800  }
0x50: {  	[sflag:s29] =	ssyncset.done $0x0  }
0x51: {  	s12 =	simm.s32 $0x280;
	[sflag:s29] =	ssyncadd.s32 $0xFFFFD800  }
0x52: {  	[tilespmem:s16], [sflag:$0x1] =	stream.indirect.gather [hbm4b:s2+s15], $0x80, s12, s15, $0xb8;
	[tilespmem:$0x15900] =	vst v63  }
0x53: {  	_ =	swait.ge [sflag:s4], $0x2800  }
0x54: {  	[sflag:s4] =	ssyncset.done $0x0  }
0x55: {  	s13 =	simm.s32 $0x2D0;
	[sflag:s4] =	ssyncadd.s32 $0xFFFFD800  }
0x56: {  	[tilespmem:s17], [sflag:$0x2] =	stream.indirect.gather [hbm4b:s2+s15], $0x80, s13, s15, $0xb8;
	[tilespmem:$0x15900] =	vst v63  }
0x57: {  	_ =	swait.ge [sflag:s6], $0x2800  }
0x58: {  	[sflag:s6] =	ssyncset.done $0x0  }
0x59: {  	s14 =	simm.s32 $0x320;
	[sflag:s6] =	ssyncadd.s32 $0xFFFFD800  }
0x5a: {  	[tilespmem:s19], [sflag:$0x3] =	stream.indirect.gather [hbm4b:s2+s15], $0x80, s14, s15, $0xb8;
	[tilespmem:$0x15900] =	vst v63  }
0x5b: {  	_ =	swait.ge [sflag:s7], $0x2800  }
0x5c: {  	[sflag:s7] =	ssyncset.done $0x0  }
0x5d: {  	s12 =	simm.s32 $0x370;
	[sflag:s7] =	ssyncadd.s32 $0xFFFFD800  }
0x5e: {  	[tilespmem:s21], [sflag:$0x4] =	stream.indirect.gather [hbm4b:s2+s15], $0x80, s12, s15, $0xb8;
	[tilespmem:$0x15900] =	vst v63  }
0x5f: {  	_ =	swait.ge [sflag:s8], $0x2800  }
0x60: {  	[sflag:s8] =	ssyncset.done $0x0  }
0x61: {  	s13 =	simm.s32 $0x3C0;
	[sflag:s8] =	ssyncadd.s32 $0xFFFFD800  }
0x62: {  	[tilespmem:s23], [sflag:$0x5] =	stream.indirect.gather [hbm4b:s2+s15], $0x80, s13, s15, $0xb8;
	[tilespmem:$0x15900] =	vst v63  }
0x63: {  	_ =	swait.ge [sflag:s9], $0x2800  }
0x64: {  	[sflag:s9] =	ssyncset.done $0x0  }
0x65: {  	s14 =	simm.s32 $0x410;
	[sflag:s9] =	ssyncadd.s32 $0xFFFFD800  }
0x66: {  	[tilespmem:s25], [sflag:$0x6] =	stream.indirect.gather [hbm4b:s2+s15], $0x80, s14, s15, $0xb8;
	[tilespmem:$0x15900] =	vst v63  }
0x67: {  	_ =	swait.ge [sflag:s10], $0x2800  }
0x68: {  	[sflag:s10] =	ssyncset.done $0x0  }
0x69: {  	s12 =	simm.s32 $0x460;
	[sflag:s10] =	ssyncadd.s32 $0xFFFFD800  }
0x6a: {  	[tilespmem:s28], [sflag:$0x7] =	stream.indirect.gather [hbm4b:s2+s15], $0x80, s12, s15, $0xb8;
	[tilespmem:$0x15900] =	vst v63  }
0x6b: {  	_ =	swait.ge [sflag:s11], $0x2800  }
0x6c: {  	[sflag:s11] =	ssyncset.done $0x0  }
0x6d: {  	s13 =	simm.s32 $0x4B0;
	[sflag:s11] =	ssyncadd.s32 $0xFFFFD800  }
0x6e: {  	[tilespmem:s30], [sflag:$0x8] =	stream.indirect.gather [hbm4b:s2+s15], $0x80, s13, s15, $0xb8;
	[tilespmem:$0x15900] =	vst v63  }
0x6f: {  	_ =	swait.ge [sflag:s31], $0x2800  }
0x70: {  	s14 =	rddreg [dreg:$0x4]  }
0x71: {  	[sflag:s31] =	ssyncset.done $0x0;
	s5 =	sadd.s32 $0x0, s14  }
0x72: {  	[sflag:s31] =	ssyncadd.s32 $0xFFFFD800;
	s13 =	sadd.s32 $0x2800, s5  }
0x73: {  	[hbm4b:s13+s3] =	stream.linear.scatter [tilespmem:s16], [sflag:$0x9], $0x2800, $0x38;
	[tilespmem:$0x15900] =	vst v63  }
0x74: {  	_ =	swait.ge [sflag:s1], $0x2800  }
0x75: {  	[sflag:s1] =	ssyncset.done $0x0  }
0x76: {  	s12 =	sadd.s32 $0x2D00, s5;
	[sflag:s1] =	ssyncadd.s32 $0xFFFFD800  }
0x77: {  	[hbm4b:s12+s3] =	stream.linear.scatter [tilespmem:s17], [sflag:$0xA], $0x2800, $0x38;
	[tilespmem:$0x15900] =	vst v63  }
0x78: {  	_ =	swait.ge [sflag:s0], $0x2800  }
0x79: {  	[sflag:s0] =	ssyncset.done $0x0  }
0x7a: {  	s14 =	sadd.s32 $0x3200, s5;
	[sflag:s0] =	ssyncadd.s32 $0xFFFFD800  }
0x7b: {  	[hbm4b:s14+s3] =	stream.linear.scatter [tilespmem:s19], [sflag:$0xB], $0x2800, $0x38;
	[tilespmem:$0x15900] =	vst v63  }
0x7c: {  	_ =	swait.ge [sflag:s18], $0x2800  }
0x7d: {  	[sflag:s18] =	ssyncset.done $0x0  }
0x7e: {  	s12 =	sadd.s32 $0x3700, s5;
	[sflag:s18] =	ssyncadd.s32 $0xFFFFD800  }
0x7f: {  	[hbm4b:s12+s3] =	stream.linear.scatter [tilespmem:s21], [sflag:$0xC], $0x2800, $0x38;
	[tilespmem:$0x15900] =	vst v63  }
0x80: {  	_ =	swait.ge [sflag:s20], $0x2800  }
0x81: {  	[sflag:s20] =	ssyncset.done $0x0  }
0x82: {  	s14 =	sadd.s32 $0x3C00, s5;
	[sflag:s20] =	ssyncadd.s32 $0xFFFFD800  }
0x83: {  	[hbm4b:s14+s3] =	stream.linear.scatter [tilespmem:s23], [sflag:$0xD], $0x2800, $0x38;
	[tilespmem:$0x15900] =	vst v63  }
0x84: {  	_ =	swait.ge [sflag:s22], $0x2800  }
0x85: {  	[sflag:s22] =	ssyncset.done $0x0  }
0x86: {  	s12 =	sadd.s32 $0x4100, s5;
	[sflag:s22] =	ssyncadd.s32 $0xFFFFD800  }
0x87: {  	[hbm4b:s12+s3] =	stream.linear.scatter [tilespmem:s25], [sflag:$0xE], $0x2800, $0x38;
	[tilespmem:$0x15900] =	vst v63  }
0x88: {  	_ =	swait.ge [sflag:s24], $0x2800  }
0x89: {  	[sflag:s24] =	ssyncset.done $0x0  }
0x8a: {  	s14 =	sadd.s32 $0x4600, s5;
	[sflag:s24] =	ssyncadd.s32 $0xFFFFD800  }
0x8b: {  	[hbm4b:s14+s3] =	stream.linear.scatter [tilespmem:s28], [sflag:$0xF], $0x2800, $0x38;
	[tilespmem:$0x15900] =	vst v63  }
0x8c: {  	_ =	swait.ge [sflag:s26], $0x2800  }
0x8d: {  	s13 =	simm.s32 $0x2800;
	[sflag:s26] =	ssyncset.done $0x0  }
0x8e: {  	s14 =	sadd.s32 $0x4B00, s5;
	s5 =	simm.s32 $0x730;
	[sflag:s26] =	ssyncadd.s32 $0xFFFFD800  }
.LBB2_2:
0x8f: {  	[hbm4b:s14+s3] =	stream.linear.scatter [tilespmem:s30], [sflag:$0x10], $0x2800, $0x38;
	[tilespmem:$0x15900] =	vst v63  }
0x90: {  	_ =	swait.ge [sflag:s29], $0x2800  }
0x91: {  	[sflag:s29] =	ssyncset.done $0x0  }
0x92: {  	s12 =	sadd.s32 $0xFFFFFDD0, s5;
	[sflag:s29] =	ssyncadd.s32 $0xFFFFD800  }
0x93: {  	[tilespmem:s16], [sflag:$0x1] =	stream.indirect.gather [hbm4b:s2+s15], $0x80, s12, s15, $0xb8;
	[tilespmem:$0x15900] =	vst v63  }
0x94: {  	_ =	swait.ge [sflag:s4], $0x2800  }
0x95: {  	[sflag:s4] =	ssyncset.done $0x0  }
0x96: {  	s12 =	sadd.s32 $0xFFFFFE20, s5;
	[sflag:s4] =	ssyncadd.s32 $0xFFFFD800  }
0x97: {  	[tilespmem:s17], [sflag:$0x2] =	stream.indirect.gather [hbm4b:s2+s15], $0x80, s12, s15, $0xb8;
	[tilespmem:$0x15900] =	vst v63  }
0x98: {  	_ =	swait.ge [sflag:s6], $0x2800  }
0x99: {  	[sflag:s6] =	ssyncset.done $0x0  }
0x9a: {  	s12 =	sadd.s32 $0xFFFFFE70, s5;
	[sflag:s6] =	ssyncadd.s32 $0xFFFFD800  }
0x9b: {  	[tilespmem:s19], [sflag:$0x3] =	stream.indirect.gather [hbm4b:s2+s15], $0x80, s12, s15, $0xb8;
	[tilespmem:$0x15900] =	vst v63  }
0x9c: {  	_ =	swait.ge [sflag:s7], $0x2800  }
0x9d: {  	[sflag:s7] =	ssyncset.done $0x0  }
0x9e: {  	s12 =	sadd.s32 $0xFFFFFEC0, s5;
	[sflag:s7] =	ssyncadd.s32 $0xFFFFD800  }
0x9f: {  	[tilespmem:s21], [sflag:$0x4] =	stream.indirect.gather [hbm4b:s2+s15], $0x80, s12, s15, $0xb8;
	[tilespmem:$0x15900] =	vst v63  }
0xa0: {  	_ =	swait.ge [sflag:s8], $0x2800  }
0xa1: {  	[sflag:s8] =	ssyncset.done $0x0  }
0xa2: {  	s12 =	sadd.s32 $0xFFFFFF10, s5;
	[sflag:s8] =	ssyncadd.s32 $0xFFFFD800  }
0xa3: {  	[tilespmem:s23], [sflag:$0x5] =	stream.indirect.gather [hbm4b:s2+s15], $0x80, s12, s15, $0xb8;
	[tilespmem:$0x15900] =	vst v63  }
0xa4: {  	_ =	swait.ge [sflag:s9], $0x2800  }
0xa5: {  	[sflag:s9] =	ssyncset.done $0x0  }
0xa6: {  	s12 =	sadd.s32 $0xFFFFFF60, s5;
	[sflag:s9] =	ssyncadd.s32 $0xFFFFD800  }
0xa7: {  	[tilespmem:s25], [sflag:$0x6] =	stream.indirect.gather [hbm4b:s2+s15], $0x80, s12, s15, $0xb8;
	[tilespmem:$0x15900] =	vst v63  }
0xa8: {  	_ =	swait.ge [sflag:s10], $0x2800  }
0xa9: {  	[sflag:s10] =	ssyncset.done $0x0  }
0xaa: {  	s12 =	sadd.s32 $0xFFFFFFB0, s5;
	[sflag:s10] =	ssyncadd.s32 $0xFFFFD800  }
0xab: {  	[tilespmem:s28], [sflag:$0x7] =	stream.indirect.gather [hbm4b:s2+s15], $0x80, s12, s15, $0xb8;
	[tilespmem:$0x15900] =	vst v63  }
0xac: {  	_ =	swait.ge [sflag:s11], $0x2800  }
0xad: {  	[sflag:s11] =	ssyncset.done $0x0  }
0xae: {  	[sflag:s11] =	ssyncadd.s32 $0xFFFFD800  }
0xaf: {  	[tilespmem:s30], [sflag:$0x8] =	stream.indirect.gather [hbm4b:s2+s15], $0x80, s5, s15, $0xb8;
	[tilespmem:$0x15900] =	vst v63  }
0xb0: {  	_ =	swait.ge [sflag:s31], $0x2800  }
0xb1: {  	s14 =	smov.u32 s13;
	s12 =	rddreg [dreg:$0x4]  }
0xb2: {  	[sflag:s31] =	ssyncset.done $0x0;
	s14 =	sadd.s32 s14, s12  }
0xb3: {  	[sflag:s31] =	ssyncadd.s32 $0xFFFFD800;
	s12 =	sadd.s32 $0x2800, s14  }
0xb4: {  	[hbm4b:s12+s3] =	stream.linear.scatter [tilespmem:s16], [sflag:$0x9], $0x2800, $0x38;
	[tilespmem:$0x15900] =	vst v63  }
0xb5: {  	_ =	swait.ge [sflag:s1], $0x2800  }
0xb6: {  	[sflag:s1] =	ssyncset.done $0x0  }
0xb7: {  	s12 =	sadd.s32 $0x2D00, s14;
	[sflag:s1] =	ssyncadd.s32 $0xFFFFD800  }
0xb8: {  	[hbm4b:s12+s3] =	stream.linear.scatter [tilespmem:s17], [sflag:$0xA], $0x2800, $0x38;
	[tilespmem:$0x15900] =	vst v63  }
0xb9: {  	_ =	swait.ge [sflag:s0], $0x2800  }
0xba: {  	[sflag:s0] =	ssyncset.done $0x0  }
0xbb: {  	s12 =	sadd.s32 $0x3200, s14;
	[sflag:s0] =	ssyncadd.s32 $0xFFFFD800  }
0xbc: {  	[hbm4b:s12+s3] =	stream.linear.scatter [tilespmem:s19], [sflag:$0xB], $0x2800, $0x38;
	[tilespmem:$0x15900] =	vst v63  }
0xbd: {  	_ =	swait.ge [sflag:s18], $0x2800  }
0xbe: {  	[sflag:s18] =	ssyncset.done $0x0  }
0xbf: {  	s12 =	sadd.s32 $0x3700, s14;
	[sflag:s18] =	ssyncadd.s32 $0xFFFFD800  }
0xc0: {  	[hbm4b:s12+s3] =	stream.linear.scatter [tilespmem:s21], [sflag:$0xC], $0x2800, $0x38;
	[tilespmem:$0x15900] =	vst v63  }
0xc1: {  	_ =	swait.ge [sflag:s20], $0x2800  }
0xc2: {  	[sflag:s20] =	ssyncset.done $0x0  }
0xc3: {  	s12 =	sadd.s32 $0x3C00, s14;
	[sflag:s20] =	ssyncadd.s32 $0xFFFFD800  }
0xc4: {  	[hbm4b:s12+s3] =	stream.linear.scatter [tilespmem:s23], [sflag:$0xD], $0x2800, $0x38;
	[tilespmem:$0x15900] =	vst v63  }
0xc5: {  	_ =	swait.ge [sflag:s22], $0x2800  }
0xc6: {  	[sflag:s22] =	ssyncset.done $0x0  }
0xc7: {  	s12 =	sadd.s32 $0x4100, s14;
	[sflag:s22] =	ssyncadd.s32 $0xFFFFD800  }
0xc8: {  	[hbm4b:s12+s3] =	stream.linear.scatter [tilespmem:s25], [sflag:$0xE], $0x2800, $0x38;
	[tilespmem:$0x15900] =	vst v63  }
0xc9: {  	_ =	swait.ge [sflag:s24], $0x2800  }
0xca: {  	p0 =	sne.s32 s13, $0x14000;
	[sflag:s24] =	ssyncset.done $0x0  }
.Ltmp0:
0xcb: {  	s12 =	sadd.s32 $0x4600, s14;
	[sflag:s24] =	ssyncadd.s32 $0xFFFFD800;
	(pc) =	sbr.rel @p0 .LBB2_2-.Ltmp0, $4  }
0xcc: {  	[hbm4b:s12+s3] =	stream.linear.scatter [tilespmem:s28], [sflag:$0xF], $0x2800, $0x38;
	[tilespmem:$0x15900] =	vst v63  }
0xcd: {  	_ =	swait.ge [sflag:s26], $0x2800  }
0xce: {  	s13 =	sadd.s32 $0x2800, s13;
	[sflag:s26] =	ssyncset.done $0x0  }
0xcf: {  	s5 =	sadd.s32 $0x280, s5;
	s14 =	sadd.s32 $0x4B00, s14;
	[sflag:s26] =	ssyncadd.s32 $0xFFFFD800  }
0xd0: {  	[hbm4b:s14+s3] =	stream.linear.scatter [tilespmem:s30], [sflag:$0x10], $0x2800, $0x38;
	[tilespmem:$0x15900] =	vst v63  }
0xd1: {  	_ =	swait.ge [sflag:s29], $0x2800  }
0xd2: {  	[sflag:s29] =	ssyncset.done $0x0  }
0xd3: {  	[sflag:s29] =	ssyncadd.s32 $0xFFFFD800  }
0xd4: {  	_ =	swait.ge [sflag:s4], $0x2800  }
0xd5: {  	[sflag:s4] =	ssyncset.done $0x0  }
0xd6: {  	[sflag:s4] =	ssyncadd.s32 $0xFFFFD800  }
0xd7: {  	_ =	swait.ge [sflag:s6], $0x2800  }
0xd8: {  	[sflag:s6] =	ssyncset.done $0x0  }
0xd9: {  	[sflag:s6] =	ssyncadd.s32 $0xFFFFD800  }
0xda: {  	_ =	swait.ge [sflag:s7], $0x2800  }
0xdb: {  	[sflag:s7] =	ssyncset.done $0x0  }
0xdc: {  	[sflag:s7] =	ssyncadd.s32 $0xFFFFD800  }
0xdd: {  	_ =	swait.ge [sflag:s8], $0x2800  }
0xde: {  	[sflag:s8] =	ssyncset.done $0x0  }
0xdf: {  	[sflag:s8] =	ssyncadd.s32 $0xFFFFD800  }
0xe0: {  	_ =	swait.ge [sflag:s9], $0x2800  }
0xe1: {  	[sflag:s9] =	ssyncset.done $0x0  }
0xe2: {  	[sflag:s9] =	ssyncadd.s32 $0xFFFFD800  }
0xe3: {  	_ =	swait.ge [sflag:s10], $0x2800  }
0xe4: {  	[sflag:s10] =	ssyncset.done $0x0  }
0xe5: {  	[sflag:s10] =	ssyncadd.s32 $0xFFFFD800  }
0xe6: {  	_ =	swait.ge [sflag:s11], $0x2800  }
0xe7: {  	s12 =	rddreg [dreg:$0xf]  }
0xe8: {  	s5 =	rddreg [dreg:$0xe];
	s12 =	sadd.s32 $0x1, s12  }
0xe9: {  	p0 =	sne.s32 s12, s5  }
.Ltmp1:
0xea: {  	_ = 	snop;
	(pc) =	sbr.rel @p0 .LBB2_1-.Ltmp1, $3  }
0xeb: {  	_ =	sdelay $0x1  }
0xec: {  	[sflag:s11] =	ssyncset.done $0x0  }
0xed: {  	[sflag:s11] =	ssyncadd.s32 $0xFFFFD800  }
0xee: {  	_ =	sfence.sel $0x180000  }
0xef: {  	[bflag:$0x0] =	sbarrier.arrive $0xFFFF  }
0xf0: {  	_ =	strace $0x90000047  }
0xf1: {  	s0 =	stileid.u32;
	[bflag:$0x2] =	sbarrier.arrive $0xFFFF  }
0xf2: {  	p0 =	sne.s32 s0, $0x0;
	s0 =	rddreg [dreg:$0x3]  }
0xf3: {  	s0 =	sadd.s32 @!p0 $0x100000, s0  }
0xf4: {  	[sflag:s0] =	ssyncadd.tile.s32 @!p0 $0x1;
	_ =	shalt  }
.Lfunc_end2:
_tile_overlayer_lowered:
.L_overlay_start_2:
0xf5: {  	(tag) =	ssettag $0x2  }
0xf6: {  	s0 =	rddreg [dreg:$0x0];
	s2 =	stileid.u32  }
0xf7: {  	s1 =	rddreg [dreg:$0x1];
	p0 =	sne.s32 s2, $0x0  }
0xf8: {  	s3 =	rddreg [dreg:$0x2];
	[bflag:$0x3] =	sbarrier.arrive $0xFFFF;
	s2 =	simm.s32 @!p0 $0x1C11  }
0xf9: {  	[timem:s3], [sflag:s2] =	dma.local @!p0 [hbm:s0], s1  }
0xfa: {  	s0 =	simm.s32 @!p0 $0x11  }
0xfb: {  	_ =	swait.ge @!p0 [sflag:s0], s1  }
0xfc: {  	s1 =	ssub.s32 @!p0 $0x0, s1;
	[sflag:s0] =	ssyncset.done @!p0 $0x0  }
0xfd: {  	[sflag:s0] =	ssyncadd.s32 @!p0 s1  }
0xfe: {  	[bflag:$0x3] =	sbarrier.arrive $0xFFFF  }
0xff: {  	_ =	shalt  }

</sc_bundles>
